<compile_context>
chip_gen: v7x
topology: tpu7x:2x2x1
jax: 0.10.2.dev20260603
libtpu: 0.0.44.dev20260713+nightly
codegen_flags: <defaults>
</compile_context>

<pallas_src>
import jax
import jax.numpy as jnp
from jax import lax
from jax.experimental import pallas as pl
from jax.experimental.pallas import tpu as pltpu
from jax.experimental.pallas import tpu_sc as plsc

N = 30
E = N * (N - 1)
L = 16
NW = 32
EPT = 28
ETAB = NW * EPT
LAST = 31
LSTART = E - EPT


def _edge_table_body(rel_rec_hbm, rel_send_hbm, adj_hbm, tab_hbm,
                     recbuf, sendbuf, adjbuf, pairbuf):
    c = lax.axis_index("c")
    s = lax.axis_index("s")
    wid = s * 2 + c
    is_last = wid == LAST
    start = jnp.where(is_last, LSTART, wid * EPT)

    pltpu.sync_copy(rel_rec_hbm.at[pl.ds(start, EPT)], recbuf)
    pltpu.sync_copy(rel_send_hbm.at[pl.ds(start, EPT)], sendbuf)
    pltpu.sync_copy(adj_hbm, adjbuf)

    lane = lax.iota(jnp.int32, L)

    for base in (0, EPT - L):
        rows = lane + base
        rec_f = jnp.zeros((L,), jnp.float32)
        send_f = jnp.zeros((L,), jnp.float32)
        for n in range(N):
            col = jnp.full((L,), n, jnp.int32)
            rec_f = rec_f + plsc.load_gather(recbuf, [rows, col]) * float(n)
            send_f = send_f + plsc.load_gather(sendbuf, [rows, col]) * float(n)
        rec_i = rec_f.astype(jnp.int32)
        send_i = send_f.astype(jnp.int32)
        vals = plsc.load_gather(adjbuf, [send_i, rec_i])
        t = jnp.where(vals != 0.0,
                      jnp.full((L,), 1.0, jnp.float32),
                      jnp.full((L,), 0.0, jnp.float32))
        two_rows = rows + rows
        plsc.store_scatter(pairbuf, [two_rows], 1.0 - t)
        plsc.store_scatter(pairbuf, [two_rows + 1], t)
        if base == EPT - L:
            @pl.when(is_last)
            def _():
                mask = rows >= EPT - 2
                pos = two_rows - 2 * (EPT - 2)
                plsc.store_scatter(pairbuf, [pos], 1.0 - t, mask=mask)
                plsc.store_scatter(pairbuf, [pos + 1], t, mask=mask)

    @pl.when(jnp.logical_not(is_last))
    def _():
        pltpu.sync_copy(pairbuf.at[pl.ds(0, 2 * EPT)],
                        tab_hbm.at[pl.ds(2 * EPT * wid, 2 * EPT)])

    @pl.when(is_last)
    def _():
        pltpu.sync_copy(pairbuf.at[pl.ds(0, 8)],
                        tab_hbm.at[pl.ds(2 * (E - 2), 8)])


def _bcast_body(tab_ref, out_ref):
    row = tab_ref[pl.ds(0, 2 * E)]
    out_ref[...] = jnp.broadcast_to(row[None, :], out_ref.shape)


def kernel(inputs, weather, rel_rec, rel_send, adj_matrix):
    b = inputs.shape[0]
    mesh = plsc.VectorSubcoreMesh(core_axis_name="c", subcore_axis_name="s")
    sc = pl.kernel(
        _edge_table_body,
        out_type=jax.ShapeDtypeStruct((2 * ETAB,), jnp.float32),
        mesh=mesh,
        scratch_types=[
            pltpu.VMEM((EPT, N), jnp.float32),
            pltpu.VMEM((EPT, N), jnp.float32),
            pltpu.VMEM((N, N), jnp.float32),
            pltpu.VMEM((2 * EPT,), jnp.float32),
        ],
        compiler_params=pltpu.CompilerParams(
            use_tc_tiling_on_sc=False, needs_layout_passes=False),
    )
    tab = sc(rel_rec, rel_send, adj_matrix)

    bb = 128
    out = pl.pallas_call(
        _bcast_body,
        out_shape=jax.ShapeDtypeStruct((b, 2 * E), jnp.float32),
        grid=(b // bb,),
        in_specs=[pl.BlockSpec((2 * ETAB,), lambda i: (0,))],
        out_specs=pl.BlockSpec((bb, 2 * E), lambda i: (i, 0)),
    )(tab)
    return out.reshape(b, E, 2)

# --- scband reference (transcript-rebuilt; emitter-appended) ---
"""Pipeline reference for scband-fixed-encoder-weather-55362128445932 (READ-ONLY COPY).

The authoritative reference and input builder live on the scoring server;
editing this copy changes nothing except your own understanding.
"""

import jax, jax.numpy as jnp
import numpy as np

N = 30
E = N * (N - 1)
B = 128
T = 24
D = 4

def setup_inputs(seed: int = 0) -> dict:
    key = jax.random.key(seed)
    k1, k2 = jax.random.split(key, 2)
    inputs = jax.random.normal(k1, (B, N, T, D), dtype=jnp.float32)
    weather = jax.random.normal(k2, (B, T, 3), dtype=jnp.float32)
    # fully-connected (no self-loop) edge list, NRI convention
    off_diag = np.ones((N, N)) - np.eye(N)
    send_idx, rec_idx = np.where(off_diag)
    eye = np.eye(N, dtype=np.float32)
    rel_rec = jnp.asarray(eye[rec_idx])    # [E, N] one-hot of receiver node
    rel_send = jnp.asarray(eye[send_idx])  # [E, N] one-hot of sender node
    adj_matrix = jnp.ones((N, N), dtype=jnp.float32)  # fixed adjacency parameter
    return {"inputs": inputs, "weather": weather, "rel_rec": rel_rec, "rel_send": rel_send, "adj_matrix": adj_matrix}

def reference(inputs, weather, rel_rec, rel_send, adj_matrix):
    # vectorized equivalent of the per-edge python loop:
    # rec_idx = where(rel_rec[e]); send_idx = where(rel_send[e]); edge_types[e] = adj[send, rec] != 0
    rec = jnp.argmax(rel_rec, axis=1)
    send = jnp.argmax(rel_send, axis=1)
    vals = adj_matrix[send, rec]                      # gather over E edges
    edge_types = (vals != 0).astype(jnp.int32)        # truth test per edge
    # F.one_hot with num_classes = max+1; adj is all-ones so max=1 -> 2 classes
    oh = jax.nn.one_hot(edge_types, 2, dtype=jnp.float32)  # [E, 2]
    out = jnp.broadcast_to(oh[None, :, :], (inputs.shape[0], oh.shape[0], oh.shape[1]))
    return out

if __name__ == "__main__":
    import jax
    _d = setup_inputs()
    print(jax.jit(kernel)(*tuple(_d.values())))

</pallas_src>

<mosaic_0001>
#map = affine_map<(d0, d1) -> (0, 0)>
#map1 = affine_map<(d0, d1) -> (0)>
module attributes {stable_mosaic.version = 14 : i64} {
  func.func @_edge_table_body(%arg0: i32, %arg1: i32, %arg2: memref<870x30xf32, #tpu.memory_space<hbm>>, %arg3: memref<870x30xf32, #tpu.memory_space<hbm>>, %arg4: memref<30x30xf32, #tpu.memory_space<hbm>>, %arg5: memref<1792xf32, #tpu.memory_space<hbm>>, %arg6: memref<28x30xf32, #tpu.memory_space<vmem>>, %arg7: memref<28x30xf32, #tpu.memory_space<vmem>>, %arg8: memref<30x30xf32, #tpu.memory_space<vmem>>, %arg9: memref<56xf32, #tpu.memory_space<vmem>>) attributes {dimension_semantics = [#tpu.dimension_semantics<core_parallel>, #tpu.dimension_semantics<subcore_parallel>], iteration_bounds = array<i64: 2, 16>, scalar_prefetch = 0 : i64, scratch_operands = 4 : i64, tpu.core_type = #tpu.core_type<sc_vector_subcore>, window_params = [{transform_indices = #map}, {transform_indices = #map}, {transform_indices = #map}, {transform_indices = #map1}]} {
    %mul3A = arith.constant 2 : i32
    %mul3A_0 = arith.muli %arg1, %mul3A : i32
    %add3A = arith.addi %mul3A_0, %arg0 : i32
    %eq3A = arith.constant 31 : i32
    %eq3A_1 = arith.cmpi eq, %add3A, %eq3A : i32
    %mul3A_2 = arith.constant 28 : i32
    %mul3A_3 = arith.muli %add3A, %mul3A_2 : i32
    %jit3A = arith.constant 842 : i32
    %select_n3A = arith.select %eq3A_1, %jit3A, %mul3A_3 : i32
    "tpu.region"() ({
      %run_scoped3A = tpu.sem_alloc : memref<!tpu.dma_semaphore, #tpu.memory_space<semaphore_mem>>
      %dma_start3A = arith.constant 0 : i32
      %dma_start3A_778 = tpu.memref_slice %arg2[%select_n3A, %dma_start3A] : memref<870x30xf32, #tpu.memory_space<hbm>> -> memref<28x30xf32, #tpu.memory_space<hbm>>
      %dma_start3A_779 = arith.constant 0 : i32
      %dma_start3A_780 = tpu.memref_slice %arg2[%select_n3A, %dma_start3A_779] : memref<870x30xf32, #tpu.memory_space<hbm>> -> memref<28x30xf32, #tpu.memory_space<hbm>>
      tpu.enqueue_dma source(%dma_start3A_780 : memref<28x30xf32, #tpu.memory_space<hbm>>) target(%arg6 : memref<28x30xf32, #tpu.memory_space<vmem>>) target_semaphore(%run_scoped3A : memref<!tpu.dma_semaphore, #tpu.memory_space<semaphore_mem>>)
      %dma_wait3A = arith.constant 0 : i32
      %dma_wait3A_781 = tpu.memref_slice %arg2[%select_n3A, %dma_wait3A] : memref<870x30xf32, #tpu.memory_space<hbm>> -> memref<28x30xf32, #tpu.memory_space<hbm>>
      %dma_wait3A_782 = arith.constant 0 : i32
      %dma_wait3A_783 = tpu.memref_slice %arg2[%select_n3A, %dma_wait3A_782] : memref<870x30xf32, #tpu.memory_space<hbm>> -> memref<28x30xf32, #tpu.memory_space<hbm>>
      tpu.wait_dma2 semaphore(%run_scoped3A : memref<!tpu.dma_semaphore, #tpu.memory_space<semaphore_mem>>) src(%dma_wait3A_783 : memref<28x30xf32, #tpu.memory_space<hbm>>) dst(%arg6 : memref<28x30xf32, #tpu.memory_space<vmem>>)
      tpu.yield
    }) : () -> ()
    "tpu.region"() ({
      %run_scoped3A = tpu.sem_alloc : memref<!tpu.dma_semaphore, #tpu.memory_space<semaphore_mem>>
      %dma_start3A = arith.constant 0 : i32
      %dma_start3A_778 = tpu.memref_slice %arg3[%select_n3A, %dma_start3A] : memref<870x30xf32, #tpu.memory_space<hbm>> -> memref<28x30xf32, #tpu.memory_space<hbm>>
      %dma_start3A_779 = arith.constant 0 : i32
      %dma_start3A_780 = tpu.memref_slice %arg3[%select_n3A, %dma_start3A_779] : memref<870x30xf32, #tpu.memory_space<hbm>> -> memref<28x30xf32, #tpu.memory_space<hbm>>
      tpu.enqueue_dma source(%dma_start3A_780 : memref<28x30xf32, #tpu.memory_space<hbm>>) target(%arg7 : memref<28x30xf32, #tpu.memory_space<vmem>>) target_semaphore(%run_scoped3A : memref<!tpu.dma_semaphore, #tpu.memory_space<semaphore_mem>>)
      %dma_wait3A = arith.constant 0 : i32
      %dma_wait3A_781 = tpu.memref_slice %arg3[%select_n3A, %dma_wait3A] : memref<870x30xf32, #tpu.memory_space<hbm>> -> memref<28x30xf32, #tpu.memory_space<hbm>>
      %dma_wait3A_782 = arith.constant 0 : i32
      %dma_wait3A_783 = tpu.memref_slice %arg3[%select_n3A, %dma_wait3A_782] : memref<870x30xf32, #tpu.memory_space<hbm>> -> memref<28x30xf32, #tpu.memory_space<hbm>>
      tpu.wait_dma2 semaphore(%run_scoped3A : memref<!tpu.dma_semaphore, #tpu.memory_space<semaphore_mem>>) src(%dma_wait3A_783 : memref<28x30xf32, #tpu.memory_space<hbm>>) dst(%arg7 : memref<28x30xf32, #tpu.memory_space<vmem>>)
      tpu.yield
    }) : () -> ()
    "tpu.region"() ({
      %run_scoped3A = tpu.sem_alloc : memref<!tpu.dma_semaphore, #tpu.memory_space<semaphore_mem>>
      tpu.enqueue_dma source(%arg4 : memref<30x30xf32, #tpu.memory_space<hbm>>) target(%arg8 : memref<30x30xf32, #tpu.memory_space<vmem>>) target_semaphore(%run_scoped3A : memref<!tpu.dma_semaphore, #tpu.memory_space<semaphore_mem>>)
      tpu.wait_dma2 semaphore(%run_scoped3A : memref<!tpu.dma_semaphore, #tpu.memory_space<semaphore_mem>>) src(%arg4 : memref<30x30xf32, #tpu.memory_space<hbm>>) dst(%arg8 : memref<30x30xf32, #tpu.memory_space<vmem>>)
      tpu.yield
    }) : () -> ()
    %iota3A = tpu.iota {dimensions = array<i32: 0>} : vector<16xi32>
    %add3A_4 = arith.constant 0 : i32
    %add3A_5 = vector.broadcast %add3A_4 : i32 to vector<16xi32>
    %add3A_6 = arith.addi %iota3A, %add3A_5 : vector<16xi32>
    %broadcast_in_dim3A = arith.constant 0.000000e+00 : f32
    %broadcast_in_dim3A_7 = vector.broadcast %broadcast_in_dim3A : f32 to vector<16xf32>
    %broadcast_in_dim3A_8 = arith.constant 0.000000e+00 : f32
    %broadcast_in_dim3A_9 = vector.broadcast %broadcast_in_dim3A_8 : f32 to vector<16xf32>
    %broadcast_in_dim3A_10 = arith.constant 0 : i32
    %broadcast_in_dim3A_11 = vector.broadcast %broadcast_in_dim3A_10 : i32 to vector<16xi32>
    %gather3A = tpu.vector_load_idx %arg6[%add3A_6, %broadcast_in_dim3A_11] : memref<28x30xf32, #tpu.memory_space<vmem>>[vector<16xi32>, vector<16xi32>], vector<16xf32>,
    %mul3A_12 = arith.constant 0.000000e+00 : f32
    %mul3A_13 = vector.broadcast %mul3A_12 : f32 to vector<16xf32>
    %mul3A_14 = arith.mulf %gather3A, %mul3A_13 : vector<16xf32>
    %add3A_15 = arith.addf %broadcast_in_dim3A_7, %mul3A_14 : vector<16xf32>
    %gather3A_16 = tpu.vector_load_idx %arg7[%add3A_6, %broadcast_in_dim3A_11] : memref<28x30xf32, #tpu.memory_space<vmem>>[vector<16xi32>, vector<16xi32>], vector<16xf32>,
    %mul3A_17 = arith.constant 0.000000e+00 : f32
    %mul3A_18 = vector.broadcast %mul3A_17 : f32 to vector<16xf32>
    %mul3A_19 = arith.mulf %gather3A_16, %mul3A_18 : vector<16xf32>
    %add3A_20 = arith.addf %broadcast_in_dim3A_9, %mul3A_19 : vector<16xf32>
    %broadcast_in_dim3A_21 = arith.constant 1 : i32
    %broadcast_in_dim3A_22 = vector.broadcast %broadcast_in_dim3A_21 : i32 to vector<16xi32>
    %gather3A_23 = tpu.vector_load_idx %arg6[%add3A_6, %broadcast_in_dim3A_22] : memref<28x30xf32, #tpu.memory_space<vmem>>[vector<16xi32>, vector<16xi32>], vector<16xf32>,
    %mul3A_24 = arith.constant 1.000000e+00 : f32
    %mul3A_25 = vector.broadcast %mul3A_24 : f32 to vector<16xf32>
    %mul3A_26 = arith.mulf %gather3A_23, %mul3A_25 : vector<16xf32>
    %add3A_27 = arith.addf %add3A_15, %mul3A_26 : vector<16xf32>
    %gather3A_28 = tpu.vector_load_idx %arg7[%add3A_6, %broadcast_in_dim3A_22] : memref<28x30xf32, #tpu.memory_space<vmem>>[vector<16xi32>, vector<16xi32>], vector<16xf32>,
    %mul3A_29 = arith.constant 1.000000e+00 : f32
    %mul3A_30 = vector.broadcast %mul3A_29 : f32 to vector<16xf32>
    %mul3A_31 = arith.mulf %gather3A_28, %mul3A_30 : vector<16xf32>
    %add3A_32 = arith.addf %add3A_20, %mul3A_31 : vector<16xf32>
    %broadcast_in_dim3A_33 = arith.constant 2 : i32
    %broadcast_in_dim3A_34 = vector.broadcast %broadcast_in_dim3A_33 : i32 to vector<16xi32>
    %gather3A_35 = tpu.vector_load_idx %arg6[%add3A_6, %broadcast_in_dim3A_34] : memref<28x30xf32, #tpu.memory_space<vmem>>[vector<16xi32>, vector<16xi32>], vector<16xf32>,
    %mul3A_36 = arith.constant 2.000000e+00 : f32
    %mul3A_37 = vector.broadcast %mul3A_36 : f32 to vector<16xf32>
    %mul3A_38 = arith.mulf %gather3A_35, %mul3A_37 : vector<16xf32>
    %add3A_39 = arith.addf %add3A_27, %mul3A_38 : vector<16xf32>
    %gather3A_40 = tpu.vector_load_idx %arg7[%add3A_6, %broadcast_in_dim3A_34] : memref<28x30xf32, #tpu.memory_space<vmem>>[vector<16xi32>, vector<16xi32>], vector<16xf32>,
    %mul3A_41 = arith.constant 2.000000e+00 : f32
    %mul3A_42 = vector.broadcast %mul3A_41 : f32 to vector<16xf32>
    %mul3A_43 = arith.mulf %gather3A_40, %mul3A_42 : vector<16xf32>
    %add3A_44 = arith.addf %add3A_32, %mul3A_43 : vector<16xf32>
    %broadcast_in_dim3A_45 = arith.constant 3 : i32
    %broadcast_in_dim3A_46 = vector.broadcast %broadcast_in_dim3A_45 : i32 to vector<16xi32>
    %gather3A_47 = tpu.vector_load_idx %arg6[%add3A_6, %broadcast_in_dim3A_46] : memref<28x30xf32, #tpu.memory_space<vmem>>[vector<16xi32>, vector<16xi32>], vector<16xf32>,
    %mul3A_48 = arith.constant 3.000000e+00 : f32
    %mul3A_49 = vector.broadcast %mul3A_48 : f32 to vector<16xf32>
    %mul3A_50 = arith.mulf %gather3A_47, %mul3A_49 : vector<16xf32>
    %add3A_51 = arith.addf %add3A_39, %mul3A_50 : vector<16xf32>
    %gather3A_52 = tpu.vector_load_idx %arg7[%add3A_6, %broadcast_in_dim3A_46] : memref<28x30xf32, #tpu.memory_space<vmem>>[vector<16xi32>, vector<16xi32>], vector<16xf32>,
    %mul3A_53 = arith.constant 3.000000e+00 : f32
    %mul3A_54 = vector.broadcast %mul3A_53 : f32 to vector<16xf32>
    %mul3A_55 = arith.mulf %gather3A_52, %mul3A_54 : vector<16xf32>
    %add3A_56 = arith.addf %add3A_44, %mul3A_55 : vector<16xf32>
    %broadcast_in_dim3A_57 = arith.constant 4 : i32
    %broadcast_in_dim3A_58 = vector.broadcast %broadcast_in_dim3A_57 : i32 to vector<16xi32>
    %gather3A_59 = tpu.vector_load_idx %arg6[%add3A_6, %broadcast_in_dim3A_58] : memref<28x30xf32, #tpu.memory_space<vmem>>[vector<16xi32>, vector<16xi32>], vector<16xf32>,
    %mul3A_60 = arith.constant 4.000000e+00 : f32
    %mul3A_61 = vector.broadcast %mul3A_60 : f32 to vector<16xf32>
    %mul3A_62 = arith.mulf %gather3A_59, %mul3A_61 : vector<16xf32>
    %add3A_63 = arith.addf %add3A_51, %mul3A_62 : vector<16xf32>
    %gather3A_64 = tpu.vector_load_idx %arg7[%add3A_6, %broadcast_in_dim3A_58] : memref<28x30xf32, #tpu.memory_space<vmem>>[vector<16xi32>, vector<16xi32>], vector<16xf32>,
    %mul3A_65 = arith.constant 4.000000e+00 : f32
    %mul3A_66 = vector.broadcast %mul3A_65 : f32 to vector<16xf32>
    %mul3A_67 = arith.mulf %gather3A_64, %mul3A_66 : vector<16xf32>
    %add3A_68 = arith.addf %add3A_56, %mul3A_67 : vector<16xf32>
    %broadcast_in_dim3A_69 = arith.constant 5 : i32
    %broadcast_in_dim3A_70 = vector.broadcast %broadcast_in_dim3A_69 : i32 to vector<16xi32>
    %gather3A_71 = tpu.vector_load_idx %arg6[%add3A_6, %broadcast_in_dim3A_70] : memref<28x30xf32, #tpu.memory_space<vmem>>[vector<16xi32>, vector<16xi32>], vector<16xf32>,
    %mul3A_72 = arith.constant 5.000000e+00 : f32
    %mul3A_73 = vector.broadcast %mul3A_72 : f32 to vector<16xf32>
    %mul3A_74 = arith.mulf %gather3A_71, %mul3A_73 : vector<16xf32>
    %add3A_75 = arith.addf %add3A_63, %mul3A_74 : vector<16xf32>
    %gather3A_76 = tpu.vector_load_idx %arg7[%add3A_6, %broadcast_in_dim3A_70] : memref<28x30xf32, #tpu.memory_space<vmem>>[vector<16xi32>, vector<16xi32>], vector<16xf32>,
    %mul3A_77 = arith.constant 5.000000e+00 : f32
    %mul3A_78 = vector.broadcast %mul3A_77 : f32 to vector<16xf32>
    %mul3A_79 = arith.mulf %gather3A_76, %mul3A_78 : vector<16xf32>
    %add3A_80 = arith.addf %add3A_68, %mul3A_79 : vector<16xf32>
    %broadcast_in_dim3A_81 = arith.constant 6 : i32
    %broadcast_in_dim3A_82 = vector.broadcast %broadcast_in_dim3A_81 : i32 to vector<16xi32>
    %gather3A_83 = tpu.vector_load_idx %arg6[%add3A_6, %broadcast_in_dim3A_82] : memref<28x30xf32, #tpu.memory_space<vmem>>[vector<16xi32>, vector<16xi32>], vector<16xf32>,
    %mul3A_84 = arith.constant 6.000000e+00 : f32
    %mul3A_85 = vector.broadcast %mul3A_84 : f32 to vector<16xf32>
    %mul3A_86 = arith.mulf %gather3A_83, %mul3A_85 : vector<16xf32>
    %add3A_87 = arith.addf %add3A_75, %mul3A_86 : vector<16xf32>
    %gather3A_88 = tpu.vector_load_idx %arg7[%add3A_6, %broadcast_in_dim3A_82] : memref<28x30xf32, #tpu.memory_space<vmem>>[vector<16xi32>, vector<16xi32>], vector<16xf32>,
    %mul3A_89 = arith.constant 6.000000e+00 : f32
    %mul3A_90 = vector.broadcast %mul3A_89 : f32 to vector<16xf32>
    %mul3A_91 = arith.mulf %gather3A_88, %mul3A_90 : vector<16xf32>
    %add3A_92 = arith.addf %add3A_80, %mul3A_91 : vector<16xf32>
    %broadcast_in_dim3A_93 = arith.constant 7 : i32
    %broadcast_in_dim3A_94 = vector.broadcast %broadcast_in_dim3A_93 : i32 to vector<16xi32>
    %gather3A_95 = tpu.vector_load_idx %arg6[%add3A_6, %broadcast_in_dim3A_94] : memref<28x30xf32, #tpu.memory_space<vmem>>[vector<16xi32>, vector<16xi32>], vector<16xf32>,
    %mul3A_96 = arith.constant 7.000000e+00 : f32
    %mul3A_97 = vector.broadcast %mul3A_96 : f32 to vector<16xf32>
    %mul3A_98 = arith.mulf %gather3A_95, %mul3A_97 : vector<16xf32>
    %add3A_99 = arith.addf %add3A_87, %mul3A_98 : vector<16xf32>
    %gather3A_100 = tpu.vector_load_idx %arg7[%add3A_6, %broadcast_in_dim3A_94] : memref<28x30xf32, #tpu.memory_space<vmem>>[vector<16xi32>, vector<16xi32>], vector<16xf32>,
    %mul3A_101 = arith.constant 7.000000e+00 : f32
    %mul3A_102 = vector.broadcast %mul3A_101 : f32 to vector<16xf32>
    %mul3A_103 = arith.mulf %gather3A_100, %mul3A_102 : vector<16xf32>
    %add3A_104 = arith.addf %add3A_92, %mul3A_103 : vector<16xf32>
    %broadcast_in_dim3A_105 = arith.constant 8 : i32
    %broadcast_in_dim3A_106 = vector.broadcast %broadcast_in_dim3A_105 : i32 to vector<16xi32>
    %gather3A_107 = tpu.vector_load_idx %arg6[%add3A_6, %broadcast_in_dim3A_106] : memref<28x30xf32, #tpu.memory_space<vmem>>[vector<16xi32>, vector<16xi32>], vector<16xf32>,
    %mul3A_108 = arith.constant 8.000000e+00 : f32
    %mul3A_109 = vector.broadcast %mul3A_108 : f32 to vector<16xf32>
    %mul3A_110 = arith.mulf %gather3A_107, %mul3A_109 : vector<16xf32>
    %add3A_111 = arith.addf %add3A_99, %mul3A_110 : vector<16xf32>
    %gather3A_112 = tpu.vector_load_idx %arg7[%add3A_6, %broadcast_in_dim3A_106] : memref<28x30xf32, #tpu.memory_space<vmem>>[vector<16xi32>, vector<16xi32>], vector<16xf32>,
    %mul3A_113 = arith.constant 8.000000e+00 : f32
    %mul3A_114 = vector.broadcast %mul3A_113 : f32 to vector<16xf32>
    %mul3A_115 = arith.mulf %gather3A_112, %mul3A_114 : vector<16xf32>
    %add3A_116 = arith.addf %add3A_104, %mul3A_115 : vector<16xf32>
    %broadcast_in_dim3A_117 = arith.constant 9 : i32
    %broadcast_in_dim3A_118 = vector.broadcast %broadcast_in_dim3A_117 : i32 to vector<16xi32>
    %gather3A_119 = tpu.vector_load_idx %arg6[%add3A_6, %broadcast_in_dim3A_118] : memref<28x30xf32, #tpu.memory_space<vmem>>[vector<16xi32>, vector<16xi32>], vector<16xf32>,
    %mul3A_120 = arith.constant 9.000000e+00 : f32
    %mul3A_121 = vector.broadcast %mul3A_120 : f32 to vector<16xf32>
    %mul3A_122 = arith.mulf %gather3A_119, %mul3A_121 : vector<16xf32>
    %add3A_123 = arith.addf %add3A_111, %mul3A_122 : vector<16xf32>
    %gather3A_124 = tpu.vector_load_idx %arg7[%add3A_6, %broadcast_in_dim3A_118] : memref<28x30xf32, #tpu.memory_space<vmem>>[vector<16xi32>, vector<16xi32>], vector<16xf32>,
    %mul3A_125 = arith.constant 9.000000e+00 : f32
    %mul3A_126 = vector.broadcast %mul3A_125 : f32 to vector<16xf32>
    %mul3A_127 = arith.mulf %gather3A_124, %mul3A_126 : vector<16xf32>
    %add3A_128 = arith.addf %add3A_116, %mul3A_127 : vector<16xf32>
    %broadcast_in_dim3A_129 = arith.constant 10 : i32
    %broadcast_in_dim3A_130 = vector.broadcast %broadcast_in_dim3A_129 : i32 to vector<16xi32>
    %gather3A_131 = tpu.vector_load_idx %arg6[%add3A_6, %broadcast_in_dim3A_130] : memref<28x30xf32, #tpu.memory_space<vmem>>[vector<16xi32>, vector<16xi32>], vector<16xf32>,
    %mul3A_132 = arith.constant 1.000000e+01 : f32
    %mul3A_133 = vector.broadcast %mul3A_132 : f32 to vector<16xf32>
    %mul3A_134 = arith.mulf %gather3A_131, %mul3A_133 : vector<16xf32>
    %add3A_135 = arith.addf %add3A_123, %mul3A_134 : vector<16xf32>
    %gather3A_136 = tpu.vector_load_idx %arg7[%add3A_6, %broadcast_in_dim3A_130] : memref<28x30xf32, #tpu.memory_space<vmem>>[vector<16xi32>, vector<16xi32>], vector<16xf32>,
    %mul3A_137 = arith.constant 1.000000e+01 : f32
    %mul3A_138 = vector.broadcast %mul3A_137 : f32 to vector<16xf32>
    %mul3A_139 = arith.mulf %gather3A_136, %mul3A_138 : vector<16xf32>
    %add3A_140 = arith.addf %add3A_128, %mul3A_139 : vector<16xf32>
    %broadcast_in_dim3A_141 = arith.constant 11 : i32
    %broadcast_in_dim3A_142 = vector.broadcast %broadcast_in_dim3A_141 : i32 to vector<16xi32>
    %gather3A_143 = tpu.vector_load_idx %arg6[%add3A_6, %broadcast_in_dim3A_142] : memref<28x30xf32, #tpu.memory_space<vmem>>[vector<16xi32>, vector<16xi32>], vector<16xf32>,
    %mul3A_144 = arith.constant 1.100000e+01 : f32
    %mul3A_145 = vector.broadcast %mul3A_144 : f32 to vector<16xf32>
    %mul3A_146 = arith.mulf %gather3A_143, %mul3A_145 : vector<16xf32>
    %add3A_147 = arith.addf %add3A_135, %mul3A_146 : vector<16xf32>
    %gather3A_148 = tpu.vector_load_idx %arg7[%add3A_6, %broadcast_in_dim3A_142] : memref<28x30xf32, #tpu.memory_space<vmem>>[vector<16xi32>, vector<16xi32>], vector<16xf32>,
    %mul3A_149 = arith.constant 1.100000e+01 : f32
    %mul3A_150 = vector.broadcast %mul3A_149 : f32 to vector<16xf32>
    %mul3A_151 = arith.mulf %gather3A_148, %mul3A_150 : vector<16xf32>
    %add3A_152 = arith.addf %add3A_140, %mul3A_151 : vector<16xf32>
    %broadcast_in_dim3A_153 = arith.constant 12 : i32
    %broadcast_in_dim3A_154 = vector.broadcast %broadcast_in_dim3A_153 : i32 to vector<16xi32>
    %gather3A_155 = tpu.vector_load_idx %arg6[%add3A_6, %broadcast_in_dim3A_154] : memref<28x30xf32, #tpu.memory_space<vmem>>[vector<16xi32>, vector<16xi32>], vector<16xf32>,
    %mul3A_156 = arith.constant 1.200000e+01 : f32
    %mul3A_157 = vector.broadcast %mul3A_156 : f32 to vector<16xf32>
    %mul3A_158 = arith.mulf %gather3A_155, %mul3A_157 : vector<16xf32>
    %add3A_159 = arith.addf %add3A_147, %mul3A_158 : vector<16xf32>
    %gather3A_160 = tpu.vector_load_idx %arg7[%add3A_6, %broadcast_in_dim3A_154] : memref<28x30xf32, #tpu.memory_space<vmem>>[vector<16xi32>, vector<16xi32>], vector<16xf32>,
    %mul3A_161 = arith.constant 1.200000e+01 : f32
    %mul3A_162 = vector.broadcast %mul3A_161 : f32 to vector<16xf32>
    %mul3A_163 = arith.mulf %gather3A_160, %mul3A_162 : vector<16xf32>
    %add3A_164 = arith.addf %add3A_152, %mul3A_163 : vector<16xf32>
    %broadcast_in_dim3A_165 = arith.constant 13 : i32
    %broadcast_in_dim3A_166 = vector.broadcast %broadcast_in_dim3A_165 : i32 to vector<16xi32>
    %gather3A_167 = tpu.vector_load_idx %arg6[%add3A_6, %broadcast_in_dim3A_166] : memref<28x30xf32, #tpu.memory_space<vmem>>[vector<16xi32>, vector<16xi32>], vector<16xf32>,
    %mul3A_168 = arith.constant 1.300000e+01 : f32
    %mul3A_169 = vector.broadcast %mul3A_168 : f32 to vector<16xf32>
    %mul3A_170 = arith.mulf %gather3A_167, %mul3A_169 : vector<16xf32>
    %add3A_171 = arith.addf %add3A_159, %mul3A_170 : vector<16xf32>
    %gather3A_172 = tpu.vector_load_idx %arg7[%add3A_6, %broadcast_in_dim3A_166] : memref<28x30xf32, #tpu.memory_space<vmem>>[vector<16xi32>, vector<16xi32>], vector<16xf32>,
    %mul3A_173 = arith.constant 1.300000e+01 : f32
    %mul3A_174 = vector.broadcast %mul3A_173 : f32 to vector<16xf32>
    %mul3A_175 = arith.mulf %gather3A_172, %mul3A_174 : vector<16xf32>
    %add3A_176 = arith.addf %add3A_164, %mul3A_175 : vector<16xf32>
    %broadcast_in_dim3A_177 = arith.constant 14 : i32
    %broadcast_in_dim3A_178 = vector.broadcast %broadcast_in_dim3A_177 : i32 to vector<16xi32>
    %gather3A_179 = tpu.vector_load_idx %arg6[%add3A_6, %broadcast_in_dim3A_178] : memref<28x30xf32, #tpu.memory_space<vmem>>[vector<16xi32>, vector<16xi32>], vector<16xf32>,
    %mul3A_180 = arith.constant 1.400000e+01 : f32
    %mul3A_181 = vector.broadcast %mul3A_180 : f32 to vector<16xf32>
    %mul3A_182 = arith.mulf %gather3A_179, %mul3A_181 : vector<16xf32>
    %add3A_183 = arith.addf %add3A_171, %mul3A_182 : vector<16xf32>
    %gather3A_184 = tpu.vector_load_idx %arg7[%add3A_6, %broadcast_in_dim3A_178] : memref<28x30xf32, #tpu.memory_space<vmem>>[vector<16xi32>, vector<16xi32>], vector<16xf32>,
    %mul3A_185 = arith.constant 1.400000e+01 : f32
    %mul3A_186 = vector.broadcast %mul3A_185 : f32 to vector<16xf32>
    %mul3A_187 = arith.mulf %gather3A_184, %mul3A_186 : vector<16xf32>
    %add3A_188 = arith.addf %add3A_176, %mul3A_187 : vector<16xf32>
    %broadcast_in_dim3A_189 = arith.constant 15 : i32
    %broadcast_in_dim3A_190 = vector.broadcast %broadcast_in_dim3A_189 : i32 to vector<16xi32>
    %gather3A_191 = tpu.vector_load_idx %arg6[%add3A_6, %broadcast_in_dim3A_190] : memref<28x30xf32, #tpu.memory_space<vmem>>[vector<16xi32>, vector<16xi32>], vector<16xf32>,
    %mul3A_192 = arith.constant 1.500000e+01 : f32
    %mul3A_193 = vector.broadcast %mul3A_192 : f32 to vector<16xf32>
    %mul3A_194 = arith.mulf %gather3A_191, %mul3A_193 : vector<16xf32>
    %add3A_195 = arith.addf %add3A_183, %mul3A_194 : vector<16xf32>
    %gather3A_196 = tpu.vector_load_idx %arg7[%add3A_6, %broadcast_in_dim3A_190] : memref<28x30xf32, #tpu.memory_space<vmem>>[vector<16xi32>, vector<16xi32>], vector<16xf32>,
    %mul3A_197 = arith.constant 1.500000e+01 : f32
    %mul3A_198 = vector.broadcast %mul3A_197 : f32 to vector<16xf32>
    %mul3A_199 = arith.mulf %gather3A_196, %mul3A_198 : vector<16xf32>
    %add3A_200 = arith.addf %add3A_188, %mul3A_199 : vector<16xf32>
    %broadcast_in_dim3A_201 = arith.constant 16 : i32
    %broadcast_in_dim3A_202 = vector.broadcast %broadcast_in_dim3A_201 : i32 to vector<16xi32>
    %gather3A_203 = tpu.vector_load_idx %arg6[%add3A_6, %broadcast_in_dim3A_202] : memref<28x30xf32, #tpu.memory_space<vmem>>[vector<16xi32>, vector<16xi32>], vector<16xf32>,
    %mul3A_204 = arith.constant 1.600000e+01 : f32
    %mul3A_205 = vector.broadcast %mul3A_204 : f32 to vector<16xf32>
    %mul3A_206 = arith.mulf %gather3A_203, %mul3A_205 : vector<16xf32>
    %add3A_207 = arith.addf %add3A_195, %mul3A_206 : vector<16xf32>
    %gather3A_208 = tpu.vector_load_idx %arg7[%add3A_6, %broadcast_in_dim3A_202] : memref<28x30xf32, #tpu.memory_space<vmem>>[vector<16xi32>, vector<16xi32>], vector<16xf32>,
    %mul3A_209 = arith.constant 1.600000e+01 : f32
    %mul3A_210 = vector.broadcast %mul3A_209 : f32 to vector<16xf32>
    %mul3A_211 = arith.mulf %gather3A_208, %mul3A_210 : vector<16xf32>
    %add3A_212 = arith.addf %add3A_200, %mul3A_211 : vector<16xf32>
    %broadcast_in_dim3A_213 = arith.constant 17 : i32
    %broadcast_in_dim3A_214 = vector.broadcast %broadcast_in_dim3A_213 : i32 to vector<16xi32>
    %gather3A_215 = tpu.vector_load_idx %arg6[%add3A_6, %broadcast_in_dim3A_214] : memref<28x30xf32, #tpu.memory_space<vmem>>[vector<16xi32>, vector<16xi32>], vector<16xf32>,
    %mul3A_216 = arith.constant 1.700000e+01 : f32
    %mul3A_217 = vector.broadcast %mul3A_216 : f32 to vector<16xf32>
    %mul3A_218 = arith.mulf %gather3A_215, %mul3A_217 : vector<16xf32>
    %add3A_219 = arith.addf %add3A_207, %mul3A_218 : vector<16xf32>
    %gather3A_220 = tpu.vector_load_idx %arg7[%add3A_6, %broadcast_in_dim3A_214] : memref<28x30xf32, #tpu.memory_space<vmem>>[vector<16xi32>, vector<16xi32>], vector<16xf32>,
    %mul3A_221 = arith.constant 1.700000e+01 : f32
    %mul3A_222 = vector.broadcast %mul3A_221 : f32 to vector<16xf32>
    %mul3A_223 = arith.mulf %gather3A_220, %mul3A_222 : vector<16xf32>
    %add3A_224 = arith.addf %add3A_212, %mul3A_223 : vector<16xf32>
    %broadcast_in_dim3A_225 = arith.constant 18 : i32
    %broadcast_in_dim3A_226 = vector.broadcast %broadcast_in_dim3A_225 : i32 to vector<16xi32>
    %gather3A_227 = tpu.vector_load_idx %arg6[%add3A_6, %broadcast_in_dim3A_226] : memref<28x30xf32, #tpu.memory_space<vmem>>[vector<16xi32>, vector<16xi32>], vector<16xf32>,
    %mul3A_228 = arith.constant 1.800000e+01 : f32
    %mul3A_229 = vector.broadcast %mul3A_228 : f32 to vector<16xf32>
    %mul3A_230 = arith.mulf %gather3A_227, %mul3A_229 : vector<16xf32>
    %add3A_231 = arith.addf %add3A_219, %mul3A_230 : vector<16xf32>
    %gather3A_232 = tpu.vector_load_idx %arg7[%add3A_6, %broadcast_in_dim3A_226] : memref<28x30xf32, #tpu.memory_space<vmem>>[vector<16xi32>, vector<16xi32>], vector<16xf32>,
    %mul3A_233 = arith.constant 1.800000e+01 : f32
    %mul3A_234 = vector.broadcast %mul3A_233 : f32 to vector<16xf32>
    %mul3A_235 = arith.mulf %gather3A_232, %mul3A_234 : vector<16xf32>
    %add3A_236 = arith.addf %add3A_224, %mul3A_235 : vector<16xf32>
    %broadcast_in_dim3A_237 = arith.constant 19 : i32
    %broadcast_in_dim3A_238 = vector.broadcast %broadcast_in_dim3A_237 : i32 to vector<16xi32>
    %gather3A_239 = tpu.vector_load_idx %arg6[%add3A_6, %broadcast_in_dim3A_238] : memref<28x30xf32, #tpu.memory_space<vmem>>[vector<16xi32>, vector<16xi32>], vector<16xf32>,
    %mul3A_240 = arith.constant 1.900000e+01 : f32
    %mul3A_241 = vector.broadcast %mul3A_240 : f32 to vector<16xf32>
    %mul3A_242 = arith.mulf %gather3A_239, %mul3A_241 : vector<16xf32>
    %add3A_243 = arith.addf %add3A_231, %mul3A_242 : vector<16xf32>
    %gather3A_244 = tpu.vector_load_idx %arg7[%add3A_6, %broadcast_in_dim3A_238] : memref<28x30xf32, #tpu.memory_space<vmem>>[vector<16xi32>, vector<16xi32>], vector<16xf32>,
    %mul3A_245 = arith.constant 1.900000e+01 : f32
    %mul3A_246 = vector.broadcast %mul3A_245 : f32 to vector<16xf32>
    %mul3A_247 = arith.mulf %gather3A_244, %mul3A_246 : vector<16xf32>
    %add3A_248 = arith.addf %add3A_236, %mul3A_247 : vector<16xf32>
    %broadcast_in_dim3A_249 = arith.constant 20 : i32
    %broadcast_in_dim3A_250 = vector.broadcast %broadcast_in_dim3A_249 : i32 to vector<16xi32>
    %gather3A_251 = tpu.vector_load_idx %arg6[%add3A_6, %broadcast_in_dim3A_250] : memref<28x30xf32, #tpu.memory_space<vmem>>[vector<16xi32>, vector<16xi32>], vector<16xf32>,
    %mul3A_252 = arith.constant 2.000000e+01 : f32
    %mul3A_253 = vector.broadcast %mul3A_252 : f32 to vector<16xf32>
    %mul3A_254 = arith.mulf %gather3A_251, %mul3A_253 : vector<16xf32>
    %add3A_255 = arith.addf %add3A_243, %mul3A_254 : vector<16xf32>
    %gather3A_256 = tpu.vector_load_idx %arg7[%add3A_6, %broadcast_in_dim3A_250] : memref<28x30xf32, #tpu.memory_space<vmem>>[vector<16xi32>, vector<16xi32>], vector<16xf32>,
    %mul3A_257 = arith.constant 2.000000e+01 : f32
    %mul3A_258 = vector.broadcast %mul3A_257 : f32 to vector<16xf32>
    %mul3A_259 = arith.mulf %gather3A_256, %mul3A_258 : vector<16xf32>
    %add3A_260 = arith.addf %add3A_248, %mul3A_259 : vector<16xf32>
    %broadcast_in_dim3A_261 = arith.constant 21 : i32
    %broadcast_in_dim3A_262 = vector.broadcast %broadcast_in_dim3A_261 : i32 to vector<16xi32>
    %gather3A_263 = tpu.vector_load_idx %arg6[%add3A_6, %broadcast_in_dim3A_262] : memref<28x30xf32, #tpu.memory_space<vmem>>[vector<16xi32>, vector<16xi32>], vector<16xf32>,
    %mul3A_264 = arith.constant 2.100000e+01 : f32
    %mul3A_265 = vector.broadcast %mul3A_264 : f32 to vector<16xf32>
    %mul3A_266 = arith.mulf %gather3A_263, %mul3A_265 : vector<16xf32>
    %add3A_267 = arith.addf %add3A_255, %mul3A_266 : vector<16xf32>
    %gather3A_268 = tpu.vector_load_idx %arg7[%add3A_6, %broadcast_in_dim3A_262] : memref<28x30xf32, #tpu.memory_space<vmem>>[vector<16xi32>, vector<16xi32>], vector<16xf32>,
    %mul3A_269 = arith.constant 2.100000e+01 : f32
    %mul3A_270 = vector.broadcast %mul3A_269 : f32 to vector<16xf32>
    %mul3A_271 = arith.mulf %gather3A_268, %mul3A_270 : vector<16xf32>
    %add3A_272 = arith.addf %add3A_260, %mul3A_271 : vector<16xf32>
    %broadcast_in_dim3A_273 = arith.constant 22 : i32
    %broadcast_in_dim3A_274 = vector.broadcast %broadcast_in_dim3A_273 : i32 to vector<16xi32>
    %gather3A_275 = tpu.vector_load_idx %arg6[%add3A_6, %broadcast_in_dim3A_274] : memref<28x30xf32, #tpu.memory_space<vmem>>[vector<16xi32>, vector<16xi32>], vector<16xf32>,
    %mul3A_276 = arith.constant 2.200000e+01 : f32
    %mul3A_277 = vector.broadcast %mul3A_276 : f32 to vector<16xf32>
    %mul3A_278 = arith.mulf %gather3A_275, %mul3A_277 : vector<16xf32>
    %add3A_279 = arith.addf %add3A_267, %mul3A_278 : vector<16xf32>
    %gather3A_280 = tpu.vector_load_idx %arg7[%add3A_6, %broadcast_in_dim3A_274] : memref<28x30xf32, #tpu.memory_space<vmem>>[vector<16xi32>, vector<16xi32>], vector<16xf32>,
    %mul3A_281 = arith.constant 2.200000e+01 : f32
    %mul3A_282 = vector.broadcast %mul3A_281 : f32 to vector<16xf32>
    %mul3A_283 = arith.mulf %gather3A_280, %mul3A_282 : vector<16xf32>
    %add3A_284 = arith.addf %add3A_272, %mul3A_283 : vector<16xf32>
    %broadcast_in_dim3A_285 = arith.constant 23 : i32
    %broadcast_in_dim3A_286 = vector.broadcast %broadcast_in_dim3A_285 : i32 to vector<16xi32>
    %gather3A_287 = tpu.vector_load_idx %arg6[%add3A_6, %broadcast_in_dim3A_286] : memref<28x30xf32, #tpu.memory_space<vmem>>[vector<16xi32>, vector<16xi32>], vector<16xf32>,
    %mul3A_288 = arith.constant 2.300000e+01 : f32
    %mul3A_289 = vector.broadcast %mul3A_288 : f32 to vector<16xf32>
    %mul3A_290 = arith.mulf %gather3A_287, %mul3A_289 : vector<16xf32>
    %add3A_291 = arith.addf %add3A_279, %mul3A_290 : vector<16xf32>
    %gather3A_292 = tpu.vector_load_idx %arg7[%add3A_6, %broadcast_in_dim3A_286] : memref<28x30xf32, #tpu.memory_space<vmem>>[vector<16xi32>, vector<16xi32>], vector<16xf32>,
    %mul3A_293 = arith.constant 2.300000e+01 : f32
    %mul3A_294 = vector.broadcast %mul3A_293 : f32 to vector<16xf32>
    %mul3A_295 = arith.mulf %gather3A_292, %mul3A_294 : vector<16xf32>
    %add3A_296 = arith.addf %add3A_284, %mul3A_295 : vector<16xf32>
    %broadcast_in_dim3A_297 = arith.constant 24 : i32
    %broadcast_in_dim3A_298 = vector.broadcast %broadcast_in_dim3A_297 : i32 to vector<16xi32>
    %gather3A_299 = tpu.vector_load_idx %arg6[%add3A_6, %broadcast_in_dim3A_298] : memref<28x30xf32, #tpu.memory_space<vmem>>[vector<16xi32>, vector<16xi32>], vector<16xf32>,
    %mul3A_300 = arith.constant 2.400000e+01 : f32
    %mul3A_301 = vector.broadcast %mul3A_300 : f32 to vector<16xf32>
    %mul3A_302 = arith.mulf %gather3A_299, %mul3A_301 : vector<16xf32>
    %add3A_303 = arith.addf %add3A_291, %mul3A_302 : vector<16xf32>
    %gather3A_304 = tpu.vector_load_idx %arg7[%add3A_6, %broadcast_in_dim3A_298] : memref<28x30xf32, #tpu.memory_space<vmem>>[vector<16xi32>, vector<16xi32>], vector<16xf32>,
    %mul3A_305 = arith.constant 2.400000e+01 : f32
    %mul3A_306 = vector.broadcast %mul3A_305 : f32 to vector<16xf32>
    %mul3A_307 = arith.mulf %gather3A_304, %mul3A_306 : vector<16xf32>
    %add3A_308 = arith.addf %add3A_296, %mul3A_307 : vector<16xf32>
    %broadcast_in_dim3A_309 = arith.constant 25 : i32
    %broadcast_in_dim3A_310 = vector.broadcast %broadcast_in_dim3A_309 : i32 to vector<16xi32>
    %gather3A_311 = tpu.vector_load_idx %arg6[%add3A_6, %broadcast_in_dim3A_310] : memref<28x30xf32, #tpu.memory_space<vmem>>[vector<16xi32>, vector<16xi32>], vector<16xf32>,
    %mul3A_312 = arith.constant 2.500000e+01 : f32
    %mul3A_313 = vector.broadcast %mul3A_312 : f32 to vector<16xf32>
    %mul3A_314 = arith.mulf %gather3A_311, %mul3A_313 : vector<16xf32>
    %add3A_315 = arith.addf %add3A_303, %mul3A_314 : vector<16xf32>
    %gather3A_316 = tpu.vector_load_idx %arg7[%add3A_6, %broadcast_in_dim3A_310] : memref<28x30xf32, #tpu.memory_space<vmem>>[vector<16xi32>, vector<16xi32>], vector<16xf32>,
    %mul3A_317 = arith.constant 2.500000e+01 : f32
    %mul3A_318 = vector.broadcast %mul3A_317 : f32 to vector<16xf32>
    %mul3A_319 = arith.mulf %gather3A_316, %mul3A_318 : vector<16xf32>
    %add3A_320 = arith.addf %add3A_308, %mul3A_319 : vector<16xf32>
    %broadcast_in_dim3A_321 = arith.constant 26 : i32
    %broadcast_in_dim3A_322 = vector.broadcast %broadcast_in_dim3A_321 : i32 to vector<16xi32>
    %gather3A_323 = tpu.vector_load_idx %arg6[%add3A_6, %broadcast_in_dim3A_322] : memref<28x30xf32, #tpu.memory_space<vmem>>[vector<16xi32>, vector<16xi32>], vector<16xf32>,
    %mul3A_324 = arith.constant 2.600000e+01 : f32
    %mul3A_325 = vector.broadcast %mul3A_324 : f32 to vector<16xf32>
    %mul3A_326 = arith.mulf %gather3A_323, %mul3A_325 : vector<16xf32>
    %add3A_327 = arith.addf %add3A_315, %mul3A_326 : vector<16xf32>
    %gather3A_328 = tpu.vector_load_idx %arg7[%add3A_6, %broadcast_in_dim3A_322] : memref<28x30xf32, #tpu.memory_space<vmem>>[vector<16xi32>, vector<16xi32>], vector<16xf32>,
    %mul3A_329 = arith.constant 2.600000e+01 : f32
    %mul3A_330 = vector.broadcast %mul3A_329 : f32 to vector<16xf32>
    %mul3A_331 = arith.mulf %gather3A_328, %mul3A_330 : vector<16xf32>
    %add3A_332 = arith.addf %add3A_320, %mul3A_331 : vector<16xf32>
    %broadcast_in_dim3A_333 = arith.constant 27 : i32
    %broadcast_in_dim3A_334 = vector.broadcast %broadcast_in_dim3A_333 : i32 to vector<16xi32>
    %gather3A_335 = tpu.vector_load_idx %arg6[%add3A_6, %broadcast_in_dim3A_334] : memref<28x30xf32, #tpu.memory_space<vmem>>[vector<16xi32>, vector<16xi32>], vector<16xf32>,
    %mul3A_336 = arith.constant 2.700000e+01 : f32
    %mul3A_337 = vector.broadcast %mul3A_336 : f32 to vector<16xf32>
    %mul3A_338 = arith.mulf %gather3A_335, %mul3A_337 : vector<16xf32>
    %add3A_339 = arith.addf %add3A_327, %mul3A_338 : vector<16xf32>
    %gather3A_340 = tpu.vector_load_idx %arg7[%add3A_6, %broadcast_in_dim3A_334] : memref<28x30xf32, #tpu.memory_space<vmem>>[vector<16xi32>, vector<16xi32>], vector<16xf32>,
    %mul3A_341 = arith.constant 2.700000e+01 : f32
    %mul3A_342 = vector.broadcast %mul3A_341 : f32 to vector<16xf32>
    %mul3A_343 = arith.mulf %gather3A_340, %mul3A_342 : vector<16xf32>
    %add3A_344 = arith.addf %add3A_332, %mul3A_343 : vector<16xf32>
    %broadcast_in_dim3A_345 = arith.constant 28 : i32
    %broadcast_in_dim3A_346 = vector.broadcast %broadcast_in_dim3A_345 : i32 to vector<16xi32>
    %gather3A_347 = tpu.vector_load_idx %arg6[%add3A_6, %broadcast_in_dim3A_346] : memref<28x30xf32, #tpu.memory_space<vmem>>[vector<16xi32>, vector<16xi32>], vector<16xf32>,
    %mul3A_348 = arith.constant 2.800000e+01 : f32
    %mul3A_349 = vector.broadcast %mul3A_348 : f32 to vector<16xf32>
    %mul3A_350 = arith.mulf %gather3A_347, %mul3A_349 : vector<16xf32>
    %add3A_351 = arith.addf %add3A_339, %mul3A_350 : vector<16xf32>
    %gather3A_352 = tpu.vector_load_idx %arg7[%add3A_6, %broadcast_in_dim3A_346] : memref<28x30xf32, #tpu.memory_space<vmem>>[vector<16xi32>, vector<16xi32>], vector<16xf32>,
    %mul3A_353 = arith.constant 2.800000e+01 : f32
    %mul3A_354 = vector.broadcast %mul3A_353 : f32 to vector<16xf32>
    %mul3A_355 = arith.mulf %gather3A_352, %mul3A_354 : vector<16xf32>
    %add3A_356 = arith.addf %add3A_344, %mul3A_355 : vector<16xf32>
    %broadcast_in_dim3A_357 = arith.constant 29 : i32
    %broadcast_in_dim3A_358 = vector.broadcast %broadcast_in_dim3A_357 : i32 to vector<16xi32>
    %gather3A_359 = tpu.vector_load_idx %arg6[%add3A_6, %broadcast_in_dim3A_358] : memref<28x30xf32, #tpu.memory_space<vmem>>[vector<16xi32>, vector<16xi32>], vector<16xf32>,
    %mul3A_360 = arith.constant 2.900000e+01 : f32
    %mul3A_361 = vector.broadcast %mul3A_360 : f32 to vector<16xf32>
    %mul3A_362 = arith.mulf %gather3A_359, %mul3A_361 : vector<16xf32>
    %add3A_363 = arith.addf %add3A_351, %mul3A_362 : vector<16xf32>
    %gather3A_364 = tpu.vector_load_idx %arg7[%add3A_6, %broadcast_in_dim3A_358] : memref<28x30xf32, #tpu.memory_space<vmem>>[vector<16xi32>, vector<16xi32>], vector<16xf32>,
    %mul3A_365 = arith.constant 2.900000e+01 : f32
    %mul3A_366 = vector.broadcast %mul3A_365 : f32 to vector<16xf32>
    %mul3A_367 = arith.mulf %gather3A_364, %mul3A_366 : vector<16xf32>
    %add3A_368 = arith.addf %add3A_356, %mul3A_367 : vector<16xf32>
    %convert_element_type3A = arith.fptosi %add3A_363 : vector<16xf32> to vector<16xi32>
    %convert_element_type3A_369 = arith.fptosi %add3A_368 : vector<16xf32> to vector<16xi32>
    %gather3A_370 = tpu.vector_load_idx %arg8[%convert_element_type3A_369, %convert_element_type3A] : memref<30x30xf32, #tpu.memory_space<vmem>>[vector<16xi32>, vector<16xi32>], vector<16xf32>,
    %ne3A = arith.constant 0.000000e+00 : f32
    %ne3A_371 = vector.broadcast %ne3A : f32 to vector<16xf32>
    %ne3A_372 = arith.cmpf one, %gather3A_370, %ne3A_371 : vector<16xf32>
    %broadcast_in_dim3A_373 = arith.constant 1.000000e+00 : f32
    %broadcast_in_dim3A_374 = vector.broadcast %broadcast_in_dim3A_373 : f32 to vector<16xf32>
    %broadcast_in_dim3A_375 = arith.constant 0.000000e+00 : f32
    %broadcast_in_dim3A_376 = vector.broadcast %broadcast_in_dim3A_375 : f32 to vector<16xf32>
    %select_n3A_377 = arith.select %ne3A_372, %broadcast_in_dim3A_374, %broadcast_in_dim3A_376 : vector<16xi1>, vector<16xf32>
    %add3A_378 = arith.addi %add3A_6, %add3A_6 : vector<16xi32>
    %sub3A = arith.constant 1.000000e+00 : f32
    %sub3A_379 = vector.broadcast %sub3A : f32 to vector<16xf32>
    %sub3A_380 = arith.subf %sub3A_379, %select_n3A_377 : vector<16xf32>
    tpu.vector_store_idx %arg9[%add3A_378], %sub3A_380 : memref<56xf32, #tpu.memory_space<vmem>>[vector<16xi32>], vector<16xf32>,
    %add3A_381 = arith.constant 1 : i32
    %add3A_382 = vector.broadcast %add3A_381 : i32 to vector<16xi32>
    %add3A_383 = arith.addi %add3A_378, %add3A_382 : vector<16xi32>
    tpu.vector_store_idx %arg9[%add3A_383], %select_n3A_377 : memref<56xf32, #tpu.memory_space<vmem>>[vector<16xi32>], vector<16xf32>,
    %add3A_384 = arith.constant 12 : i32
    %add3A_385 = vector.broadcast %add3A_384 : i32 to vector<16xi32>
    %add3A_386 = arith.addi %iota3A, %add3A_385 : vector<16xi32>
    %broadcast_in_dim3A_387 = arith.constant 0.000000e+00 : f32
    %broadcast_in_dim3A_388 = vector.broadcast %broadcast_in_dim3A_387 : f32 to vector<16xf32>
    %broadcast_in_dim3A_389 = arith.constant 0.000000e+00 : f32
    %broadcast_in_dim3A_390 = vector.broadcast %broadcast_in_dim3A_389 : f32 to vector<16xf32>
    %broadcast_in_dim3A_391 = arith.constant 0 : i32
    %broadcast_in_dim3A_392 = vector.broadcast %broadcast_in_dim3A_391 : i32 to vector<16xi32>
    %gather3A_393 = tpu.vector_load_idx %arg6[%add3A_386, %broadcast_in_dim3A_392] : memref<28x30xf32, #tpu.memory_space<vmem>>[vector<16xi32>, vector<16xi32>], vector<16xf32>,
    %mul3A_394 = arith.constant 0.000000e+00 : f32
    %mul3A_395 = vector.broadcast %mul3A_394 : f32 to vector<16xf32>
    %mul3A_396 = arith.mulf %gather3A_393, %mul3A_395 : vector<16xf32>
    %add3A_397 = arith.addf %broadcast_in_dim3A_388, %mul3A_396 : vector<16xf32>
    %gather3A_398 = tpu.vector_load_idx %arg7[%add3A_386, %broadcast_in_dim3A_392] : memref<28x30xf32, #tpu.memory_space<vmem>>[vector<16xi32>, vector<16xi32>], vector<16xf32>,
    %mul3A_399 = arith.constant 0.000000e+00 : f32
    %mul3A_400 = vector.broadcast %mul3A_399 : f32 to vector<16xf32>
    %mul3A_401 = arith.mulf %gather3A_398, %mul3A_400 : vector<16xf32>
    %add3A_402 = arith.addf %broadcast_in_dim3A_390, %mul3A_401 : vector<16xf32>
    %broadcast_in_dim3A_403 = arith.constant 1 : i32
    %broadcast_in_dim3A_404 = vector.broadcast %broadcast_in_dim3A_403 : i32 to vector<16xi32>
    %gather3A_405 = tpu.vector_load_idx %arg6[%add3A_386, %broadcast_in_dim3A_404] : memref<28x30xf32, #tpu.memory_space<vmem>>[vector<16xi32>, vector<16xi32>], vector<16xf32>,
    %mul3A_406 = arith.constant 1.000000e+00 : f32
    %mul3A_407 = vector.broadcast %mul3A_406 : f32 to vector<16xf32>
    %mul3A_408 = arith.mulf %gather3A_405, %mul3A_407 : vector<16xf32>
    %add3A_409 = arith.addf %add3A_397, %mul3A_408 : vector<16xf32>
    %gather3A_410 = tpu.vector_load_idx %arg7[%add3A_386, %broadcast_in_dim3A_404] : memref<28x30xf32, #tpu.memory_space<vmem>>[vector<16xi32>, vector<16xi32>], vector<16xf32>,
    %mul3A_411 = arith.constant 1.000000e+00 : f32
    %mul3A_412 = vector.broadcast %mul3A_411 : f32 to vector<16xf32>
    %mul3A_413 = arith.mulf %gather3A_410, %mul3A_412 : vector<16xf32>
    %add3A_414 = arith.addf %add3A_402, %mul3A_413 : vector<16xf32>
    %broadcast_in_dim3A_415 = arith.constant 2 : i32
    %broadcast_in_dim3A_416 = vector.broadcast %broadcast_in_dim3A_415 : i32 to vector<16xi32>
    %gather3A_417 = tpu.vector_load_idx %arg6[%add3A_386, %broadcast_in_dim3A_416] : memref<28x30xf32, #tpu.memory_space<vmem>>[vector<16xi32>, vector<16xi32>], vector<16xf32>,
    %mul3A_418 = arith.constant 2.000000e+00 : f32
    %mul3A_419 = vector.broadcast %mul3A_418 : f32 to vector<16xf32>
    %mul3A_420 = arith.mulf %gather3A_417, %mul3A_419 : vector<16xf32>
    %add3A_421 = arith.addf %add3A_409, %mul3A_420 : vector<16xf32>
    %gather3A_422 = tpu.vector_load_idx %arg7[%add3A_386, %broadcast_in_dim3A_416] : memref<28x30xf32, #tpu.memory_space<vmem>>[vector<16xi32>, vector<16xi32>], vector<16xf32>,
    %mul3A_423 = arith.constant 2.000000e+00 : f32
    %mul3A_424 = vector.broadcast %mul3A_423 : f32 to vector<16xf32>
    %mul3A_425 = arith.mulf %gather3A_422, %mul3A_424 : vector<16xf32>
    %add3A_426 = arith.addf %add3A_414, %mul3A_425 : vector<16xf32>
    %broadcast_in_dim3A_427 = arith.constant 3 : i32
    %broadcast_in_dim3A_428 = vector.broadcast %broadcast_in_dim3A_427 : i32 to vector<16xi32>
    %gather3A_429 = tpu.vector_load_idx %arg6[%add3A_386, %broadcast_in_dim3A_428] : memref<28x30xf32, #tpu.memory_space<vmem>>[vector<16xi32>, vector<16xi32>], vector<16xf32>,
    %mul3A_430 = arith.constant 3.000000e+00 : f32
    %mul3A_431 = vector.broadcast %mul3A_430 : f32 to vector<16xf32>
    %mul3A_432 = arith.mulf %gather3A_429, %mul3A_431 : vector<16xf32>
    %add3A_433 = arith.addf %add3A_421, %mul3A_432 : vector<16xf32>
    %gather3A_434 = tpu.vector_load_idx %arg7[%add3A_386, %broadcast_in_dim3A_428] : memref<28x30xf32, #tpu.memory_space<vmem>>[vector<16xi32>, vector<16xi32>], vector<16xf32>,
    %mul3A_435 = arith.constant 3.000000e+00 : f32
    %mul3A_436 = vector.broadcast %mul3A_435 : f32 to vector<16xf32>
    %mul3A_437 = arith.mulf %gather3A_434, %mul3A_436 : vector<16xf32>
    %add3A_438 = arith.addf %add3A_426, %mul3A_437 : vector<16xf32>
    %broadcast_in_dim3A_439 = arith.constant 4 : i32
    %broadcast_in_dim3A_440 = vector.broadcast %broadcast_in_dim3A_439 : i32 to vector<16xi32>
    %gather3A_441 = tpu.vector_load_idx %arg6[%add3A_386, %broadcast_in_dim3A_440] : memref<28x30xf32, #tpu.memory_space<vmem>>[vector<16xi32>, vector<16xi32>], vector<16xf32>,
    %mul3A_442 = arith.constant 4.000000e+00 : f32
    %mul3A_443 = vector.broadcast %mul3A_442 : f32 to vector<16xf32>
    %mul3A_444 = arith.mulf %gather3A_441, %mul3A_443 : vector<16xf32>
    %add3A_445 = arith.addf %add3A_433, %mul3A_444 : vector<16xf32>
    %gather3A_446 = tpu.vector_load_idx %arg7[%add3A_386, %broadcast_in_dim3A_440] : memref<28x30xf32, #tpu.memory_space<vmem>>[vector<16xi32>, vector<16xi32>], vector<16xf32>,
    %mul3A_447 = arith.constant 4.000000e+00 : f32
    %mul3A_448 = vector.broadcast %mul3A_447 : f32 to vector<16xf32>
    %mul3A_449 = arith.mulf %gather3A_446, %mul3A_448 : vector<16xf32>
    %add3A_450 = arith.addf %add3A_438, %mul3A_449 : vector<16xf32>
    %broadcast_in_dim3A_451 = arith.constant 5 : i32
    %broadcast_in_dim3A_452 = vector.broadcast %broadcast_in_dim3A_451 : i32 to vector<16xi32>
    %gather3A_453 = tpu.vector_load_idx %arg6[%add3A_386, %broadcast_in_dim3A_452] : memref<28x30xf32, #tpu.memory_space<vmem>>[vector<16xi32>, vector<16xi32>], vector<16xf32>,
    %mul3A_454 = arith.constant 5.000000e+00 : f32
    %mul3A_455 = vector.broadcast %mul3A_454 : f32 to vector<16xf32>
    %mul3A_456 = arith.mulf %gather3A_453, %mul3A_455 : vector<16xf32>
    %add3A_457 = arith.addf %add3A_445, %mul3A_456 : vector<16xf32>
    %gather3A_458 = tpu.vector_load_idx %arg7[%add3A_386, %broadcast_in_dim3A_452] : memref<28x30xf32, #tpu.memory_space<vmem>>[vector<16xi32>, vector<16xi32>], vector<16xf32>,
    %mul3A_459 = arith.constant 5.000000e+00 : f32
    %mul3A_460 = vector.broadcast %mul3A_459 : f32 to vector<16xf32>
    %mul3A_461 = arith.mulf %gather3A_458, %mul3A_460 : vector<16xf32>
    %add3A_462 = arith.addf %add3A_450, %mul3A_461 : vector<16xf32>
    %broadcast_in_dim3A_463 = arith.constant 6 : i32
    %broadcast_in_dim3A_464 = vector.broadcast %broadcast_in_dim3A_463 : i32 to vector<16xi32>
    %gather3A_465 = tpu.vector_load_idx %arg6[%add3A_386, %broadcast_in_dim3A_464] : memref<28x30xf32, #tpu.memory_space<vmem>>[vector<16xi32>, vector<16xi32>], vector<16xf32>,
    %mul3A_466 = arith.constant 6.000000e+00 : f32
    %mul3A_467 = vector.broadcast %mul3A_466 : f32 to vector<16xf32>
    %mul3A_468 = arith.mulf %gather3A_465, %mul3A_467 : vector<16xf32>
    %add3A_469 = arith.addf %add3A_457, %mul3A_468 : vector<16xf32>
    %gather3A_470 = tpu.vector_load_idx %arg7[%add3A_386, %broadcast_in_dim3A_464] : memref<28x30xf32, #tpu.memory_space<vmem>>[vector<16xi32>, vector<16xi32>], vector<16xf32>,
    %mul3A_471 = arith.constant 6.000000e+00 : f32
    %mul3A_472 = vector.broadcast %mul3A_471 : f32 to vector<16xf32>
    %mul3A_473 = arith.mulf %gather3A_470, %mul3A_472 : vector<16xf32>
    %add3A_474 = arith.addf %add3A_462, %mul3A_473 : vector<16xf32>
    %broadcast_in_dim3A_475 = arith.constant 7 : i32
    %broadcast_in_dim3A_476 = vector.broadcast %broadcast_in_dim3A_475 : i32 to vector<16xi32>
    %gather3A_477 = tpu.vector_load_idx %arg6[%add3A_386, %broadcast_in_dim3A_476] : memref<28x30xf32, #tpu.memory_space<vmem>>[vector<16xi32>, vector<16xi32>], vector<16xf32>,
    %mul3A_478 = arith.constant 7.000000e+00 : f32
    %mul3A_479 = vector.broadcast %mul3A_478 : f32 to vector<16xf32>
    %mul3A_480 = arith.mulf %gather3A_477, %mul3A_479 : vector<16xf32>
    %add3A_481 = arith.addf %add3A_469, %mul3A_480 : vector<16xf32>
    %gather3A_482 = tpu.vector_load_idx %arg7[%add3A_386, %broadcast_in_dim3A_476] : memref<28x30xf32, #tpu.memory_space<vmem>>[vector<16xi32>, vector<16xi32>], vector<16xf32>,
    %mul3A_483 = arith.constant 7.000000e+00 : f32
    %mul3A_484 = vector.broadcast %mul3A_483 : f32 to vector<16xf32>
    %mul3A_485 = arith.mulf %gather3A_482, %mul3A_484 : vector<16xf32>
    %add3A_486 = arith.addf %add3A_474, %mul3A_485 : vector<16xf32>
    %broadcast_in_dim3A_487 = arith.constant 8 : i32
    %broadcast_in_dim3A_488 = vector.broadcast %broadcast_in_dim3A_487 : i32 to vector<16xi32>
    %gather3A_489 = tpu.vector_load_idx %arg6[%add3A_386, %broadcast_in_dim3A_488] : memref<28x30xf32, #tpu.memory_space<vmem>>[vector<16xi32>, vector<16xi32>], vector<16xf32>,
    %mul3A_490 = arith.constant 8.000000e+00 : f32
    %mul3A_491 = vector.broadcast %mul3A_490 : f32 to vector<16xf32>
    %mul3A_492 = arith.mulf %gather3A_489, %mul3A_491 : vector<16xf32>
    %add3A_493 = arith.addf %add3A_481, %mul3A_492 : vector<16xf32>
    %gather3A_494 = tpu.vector_load_idx %arg7[%add3A_386, %broadcast_in_dim3A_488] : memref<28x30xf32, #tpu.memory_space<vmem>>[vector<16xi32>, vector<16xi32>], vector<16xf32>,
    %mul3A_495 = arith.constant 8.000000e+00 : f32
    %mul3A_496 = vector.broadcast %mul3A_495 : f32 to vector<16xf32>
    %mul3A_497 = arith.mulf %gather3A_494, %mul3A_496 : vector<16xf32>
    %add3A_498 = arith.addf %add3A_486, %mul3A_497 : vector<16xf32>
    %broadcast_in_dim3A_499 = arith.constant 9 : i32
    %broadcast_in_dim3A_500 = vector.broadcast %broadcast_in_dim3A_499 : i32 to vector<16xi32>
    %gather3A_501 = tpu.vector_load_idx %arg6[%add3A_386, %broadcast_in_dim3A_500] : memref<28x30xf32, #tpu.memory_space<vmem>>[vector<16xi32>, vector<16xi32>], vector<16xf32>,
    %mul3A_502 = arith.constant 9.000000e+00 : f32
    %mul3A_503 = vector.broadcast %mul3A_502 : f32 to vector<16xf32>
    %mul3A_504 = arith.mulf %gather3A_501, %mul3A_503 : vector<16xf32>
    %add3A_505 = arith.addf %add3A_493, %mul3A_504 : vector<16xf32>
    %gather3A_506 = tpu.vector_load_idx %arg7[%add3A_386, %broadcast_in_dim3A_500] : memref<28x30xf32, #tpu.memory_space<vmem>>[vector<16xi32>, vector<16xi32>], vector<16xf32>,
    %mul3A_507 = arith.constant 9.000000e+00 : f32
    %mul3A_508 = vector.broadcast %mul3A_507 : f32 to vector<16xf32>
    %mul3A_509 = arith.mulf %gather3A_506, %mul3A_508 : vector<16xf32>
    %add3A_510 = arith.addf %add3A_498, %mul3A_509 : vector<16xf32>
    %broadcast_in_dim3A_511 = arith.constant 10 : i32
    %broadcast_in_dim3A_512 = vector.broadcast %broadcast_in_dim3A_511 : i32 to vector<16xi32>
    %gather3A_513 = tpu.vector_load_idx %arg6[%add3A_386, %broadcast_in_dim3A_512] : memref<28x30xf32, #tpu.memory_space<vmem>>[vector<16xi32>, vector<16xi32>], vector<16xf32>,
    %mul3A_514 = arith.constant 1.000000e+01 : f32
    %mul3A_515 = vector.broadcast %mul3A_514 : f32 to vector<16xf32>
    %mul3A_516 = arith.mulf %gather3A_513, %mul3A_515 : vector<16xf32>
    %add3A_517 = arith.addf %add3A_505, %mul3A_516 : vector<16xf32>
    %gather3A_518 = tpu.vector_load_idx %arg7[%add3A_386, %broadcast_in_dim3A_512] : memref<28x30xf32, #tpu.memory_space<vmem>>[vector<16xi32>, vector<16xi32>], vector<16xf32>,
    %mul3A_519 = arith.constant 1.000000e+01 : f32
    %mul3A_520 = vector.broadcast %mul3A_519 : f32 to vector<16xf32>
    %mul3A_521 = arith.mulf %gather3A_518, %mul3A_520 : vector<16xf32>
    %add3A_522 = arith.addf %add3A_510, %mul3A_521 : vector<16xf32>
    %broadcast_in_dim3A_523 = arith.constant 11 : i32
    %broadcast_in_dim3A_524 = vector.broadcast %broadcast_in_dim3A_523 : i32 to vector<16xi32>
    %gather3A_525 = tpu.vector_load_idx %arg6[%add3A_386, %broadcast_in_dim3A_524] : memref<28x30xf32, #tpu.memory_space<vmem>>[vector<16xi32>, vector<16xi32>], vector<16xf32>,
    %mul3A_526 = arith.constant 1.100000e+01 : f32
    %mul3A_527 = vector.broadcast %mul3A_526 : f32 to vector<16xf32>
    %mul3A_528 = arith.mulf %gather3A_525, %mul3A_527 : vector<16xf32>
    %add3A_529 = arith.addf %add3A_517, %mul3A_528 : vector<16xf32>
    %gather3A_530 = tpu.vector_load_idx %arg7[%add3A_386, %broadcast_in_dim3A_524] : memref<28x30xf32, #tpu.memory_space<vmem>>[vector<16xi32>, vector<16xi32>], vector<16xf32>,
    %mul3A_531 = arith.constant 1.100000e+01 : f32
    %mul3A_532 = vector.broadcast %mul3A_531 : f32 to vector<16xf32>
    %mul3A_533 = arith.mulf %gather3A_530, %mul3A_532 : vector<16xf32>
    %add3A_534 = arith.addf %add3A_522, %mul3A_533 : vector<16xf32>
    %broadcast_in_dim3A_535 = arith.constant 12 : i32
    %broadcast_in_dim3A_536 = vector.broadcast %broadcast_in_dim3A_535 : i32 to vector<16xi32>
    %gather3A_537 = tpu.vector_load_idx %arg6[%add3A_386, %broadcast_in_dim3A_536] : memref<28x30xf32, #tpu.memory_space<vmem>>[vector<16xi32>, vector<16xi32>], vector<16xf32>,
    %mul3A_538 = arith.constant 1.200000e+01 : f32
    %mul3A_539 = vector.broadcast %mul3A_538 : f32 to vector<16xf32>
    %mul3A_540 = arith.mulf %gather3A_537, %mul3A_539 : vector<16xf32>
    %add3A_541 = arith.addf %add3A_529, %mul3A_540 : vector<16xf32>
    %gather3A_542 = tpu.vector_load_idx %arg7[%add3A_386, %broadcast_in_dim3A_536] : memref<28x30xf32, #tpu.memory_space<vmem>>[vector<16xi32>, vector<16xi32>], vector<16xf32>,
    %mul3A_543 = arith.constant 1.200000e+01 : f32
    %mul3A_544 = vector.broadcast %mul3A_543 : f32 to vector<16xf32>
    %mul3A_545 = arith.mulf %gather3A_542, %mul3A_544 : vector<16xf32>
    %add3A_546 = arith.addf %add3A_534, %mul3A_545 : vector<16xf32>
    %broadcast_in_dim3A_547 = arith.constant 13 : i32
    %broadcast_in_dim3A_548 = vector.broadcast %broadcast_in_dim3A_547 : i32 to vector<16xi32>
    %gather3A_549 = tpu.vector_load_idx %arg6[%add3A_386, %broadcast_in_dim3A_548] : memref<28x30xf32, #tpu.memory_space<vmem>>[vector<16xi32>, vector<16xi32>], vector<16xf32>,
    %mul3A_550 = arith.constant 1.300000e+01 : f32
    %mul3A_551 = vector.broadcast %mul3A_550 : f32 to vector<16xf32>
    %mul3A_552 = arith.mulf %gather3A_549, %mul3A_551 : vector<16xf32>
    %add3A_553 = arith.addf %add3A_541, %mul3A_552 : vector<16xf32>
    %gather3A_554 = tpu.vector_load_idx %arg7[%add3A_386, %broadcast_in_dim3A_548] : memref<28x30xf32, #tpu.memory_space<vmem>>[vector<16xi32>, vector<16xi32>], vector<16xf32>,
    %mul3A_555 = arith.constant 1.300000e+01 : f32
    %mul3A_556 = vector.broadcast %mul3A_555 : f32 to vector<16xf32>
    %mul3A_557 = arith.mulf %gather3A_554, %mul3A_556 : vector<16xf32>
    %add3A_558 = arith.addf %add3A_546, %mul3A_557 : vector<16xf32>
    %broadcast_in_dim3A_559 = arith.constant 14 : i32
    %broadcast_in_dim3A_560 = vector.broadcast %broadcast_in_dim3A_559 : i32 to vector<16xi32>
    %gather3A_561 = tpu.vector_load_idx %arg6[%add3A_386, %broadcast_in_dim3A_560] : memref<28x30xf32, #tpu.memory_space<vmem>>[vector<16xi32>, vector<16xi32>], vector<16xf32>,
    %mul3A_562 = arith.constant 1.400000e+01 : f32
    %mul3A_563 = vector.broadcast %mul3A_562 : f32 to vector<16xf32>
    %mul3A_564 = arith.mulf %gather3A_561, %mul3A_563 : vector<16xf32>
    %add3A_565 = arith.addf %add3A_553, %mul3A_564 : vector<16xf32>
    %gather3A_566 = tpu.vector_load_idx %arg7[%add3A_386, %broadcast_in_dim3A_560] : memref<28x30xf32, #tpu.memory_space<vmem>>[vector<16xi32>, vector<16xi32>], vector<16xf32>,
    %mul3A_567 = arith.constant 1.400000e+01 : f32
    %mul3A_568 = vector.broadcast %mul3A_567 : f32 to vector<16xf32>
    %mul3A_569 = arith.mulf %gather3A_566, %mul3A_568 : vector<16xf32>
    %add3A_570 = arith.addf %add3A_558, %mul3A_569 : vector<16xf32>
    %broadcast_in_dim3A_571 = arith.constant 15 : i32
    %broadcast_in_dim3A_572 = vector.broadcast %broadcast_in_dim3A_571 : i32 to vector<16xi32>
    %gather3A_573 = tpu.vector_load_idx %arg6[%add3A_386, %broadcast_in_dim3A_572] : memref<28x30xf32, #tpu.memory_space<vmem>>[vector<16xi32>, vector<16xi32>], vector<16xf32>,
    %mul3A_574 = arith.constant 1.500000e+01 : f32
    %mul3A_575 = vector.broadcast %mul3A_574 : f32 to vector<16xf32>
    %mul3A_576 = arith.mulf %gather3A_573, %mul3A_575 : vector<16xf32>
    %add3A_577 = arith.addf %add3A_565, %mul3A_576 : vector<16xf32>
    %gather3A_578 = tpu.vector_load_idx %arg7[%add3A_386, %broadcast_in_dim3A_572] : memref<28x30xf32, #tpu.memory_space<vmem>>[vector<16xi32>, vector<16xi32>], vector<16xf32>,
    %mul3A_579 = arith.constant 1.500000e+01 : f32
    %mul3A_580 = vector.broadcast %mul3A_579 : f32 to vector<16xf32>
    %mul3A_581 = arith.mulf %gather3A_578, %mul3A_580 : vector<16xf32>
    %add3A_582 = arith.addf %add3A_570, %mul3A_581 : vector<16xf32>
    %broadcast_in_dim3A_583 = arith.constant 16 : i32
    %broadcast_in_dim3A_584 = vector.broadcast %broadcast_in_dim3A_583 : i32 to vector<16xi32>
    %gather3A_585 = tpu.vector_load_idx %arg6[%add3A_386, %broadcast_in_dim3A_584] : memref<28x30xf32, #tpu.memory_space<vmem>>[vector<16xi32>, vector<16xi32>], vector<16xf32>,
    %mul3A_586 = arith.constant 1.600000e+01 : f32
    %mul3A_587 = vector.broadcast %mul3A_586 : f32 to vector<16xf32>
    %mul3A_588 = arith.mulf %gather3A_585, %mul3A_587 : vector<16xf32>
    %add3A_589 = arith.addf %add3A_577, %mul3A_588 : vector<16xf32>
    %gather3A_590 = tpu.vector_load_idx %arg7[%add3A_386, %broadcast_in_dim3A_584] : memref<28x30xf32, #tpu.memory_space<vmem>>[vector<16xi32>, vector<16xi32>], vector<16xf32>,
    %mul3A_591 = arith.constant 1.600000e+01 : f32
    %mul3A_592 = vector.broadcast %mul3A_591 : f32 to vector<16xf32>
    %mul3A_593 = arith.mulf %gather3A_590, %mul3A_592 : vector<16xf32>
    %add3A_594 = arith.addf %add3A_582, %mul3A_593 : vector<16xf32>
    %broadcast_in_dim3A_595 = arith.constant 17 : i32
    %broadcast_in_dim3A_596 = vector.broadcast %broadcast_in_dim3A_595 : i32 to vector<16xi32>
    %gather3A_597 = tpu.vector_load_idx %arg6[%add3A_386, %broadcast_in_dim3A_596] : memref<28x30xf32, #tpu.memory_space<vmem>>[vector<16xi32>, vector<16xi32>], vector<16xf32>,
    %mul3A_598 = arith.constant 1.700000e+01 : f32
    %mul3A_599 = vector.broadcast %mul3A_598 : f32 to vector<16xf32>
    %mul3A_600 = arith.mulf %gather3A_597, %mul3A_599 : vector<16xf32>
    %add3A_601 = arith.addf %add3A_589, %mul3A_600 : vector<16xf32>
    %gather3A_602 = tpu.vector_load_idx %arg7[%add3A_386, %broadcast_in_dim3A_596] : memref<28x30xf32, #tpu.memory_space<vmem>>[vector<16xi32>, vector<16xi32>], vector<16xf32>,
    %mul3A_603 = arith.constant 1.700000e+01 : f32
    %mul3A_604 = vector.broadcast %mul3A_603 : f32 to vector<16xf32>
    %mul3A_605 = arith.mulf %gather3A_602, %mul3A_604 : vector<16xf32>
    %add3A_606 = arith.addf %add3A_594, %mul3A_605 : vector<16xf32>
    %broadcast_in_dim3A_607 = arith.constant 18 : i32
    %broadcast_in_dim3A_608 = vector.broadcast %broadcast_in_dim3A_607 : i32 to vector<16xi32>
    %gather3A_609 = tpu.vector_load_idx %arg6[%add3A_386, %broadcast_in_dim3A_608] : memref<28x30xf32, #tpu.memory_space<vmem>>[vector<16xi32>, vector<16xi32>], vector<16xf32>,
    %mul3A_610 = arith.constant 1.800000e+01 : f32
    %mul3A_611 = vector.broadcast %mul3A_610 : f32 to vector<16xf32>
    %mul3A_612 = arith.mulf %gather3A_609, %mul3A_611 : vector<16xf32>
    %add3A_613 = arith.addf %add3A_601, %mul3A_612 : vector<16xf32>
    %gather3A_614 = tpu.vector_load_idx %arg7[%add3A_386, %broadcast_in_dim3A_608] : memref<28x30xf32, #tpu.memory_space<vmem>>[vector<16xi32>, vector<16xi32>], vector<16xf32>,
    %mul3A_615 = arith.constant 1.800000e+01 : f32
    %mul3A_616 = vector.broadcast %mul3A_615 : f32 to vector<16xf32>
    %mul3A_617 = arith.mulf %gather3A_614, %mul3A_616 : vector<16xf32>
    %add3A_618 = arith.addf %add3A_606, %mul3A_617 : vector<16xf32>
    %broadcast_in_dim3A_619 = arith.constant 19 : i32
    %broadcast_in_dim3A_620 = vector.broadcast %broadcast_in_dim3A_619 : i32 to vector<16xi32>
    %gather3A_621 = tpu.vector_load_idx %arg6[%add3A_386, %broadcast_in_dim3A_620] : memref<28x30xf32, #tpu.memory_space<vmem>>[vector<16xi32>, vector<16xi32>], vector<16xf32>,
    %mul3A_622 = arith.constant 1.900000e+01 : f32
    %mul3A_623 = vector.broadcast %mul3A_622 : f32 to vector<16xf32>
    %mul3A_624 = arith.mulf %gather3A_621, %mul3A_623 : vector<16xf32>
    %add3A_625 = arith.addf %add3A_613, %mul3A_624 : vector<16xf32>
    %gather3A_626 = tpu.vector_load_idx %arg7[%add3A_386, %broadcast_in_dim3A_620] : memref<28x30xf32, #tpu.memory_space<vmem>>[vector<16xi32>, vector<16xi32>], vector<16xf32>,
    %mul3A_627 = arith.constant 1.900000e+01 : f32
    %mul3A_628 = vector.broadcast %mul3A_627 : f32 to vector<16xf32>
    %mul3A_629 = arith.mulf %gather3A_626, %mul3A_628 : vector<16xf32>
    %add3A_630 = arith.addf %add3A_618, %mul3A_629 : vector<16xf32>
    %broadcast_in_dim3A_631 = arith.constant 20 : i32
    %broadcast_in_dim3A_632 = vector.broadcast %broadcast_in_dim3A_631 : i32 to vector<16xi32>
    %gather3A_633 = tpu.vector_load_idx %arg6[%add3A_386, %broadcast_in_dim3A_632] : memref<28x30xf32, #tpu.memory_space<vmem>>[vector<16xi32>, vector<16xi32>], vector<16xf32>,
    %mul3A_634 = arith.constant 2.000000e+01 : f32
    %mul3A_635 = vector.broadcast %mul3A_634 : f32 to vector<16xf32>
    %mul3A_636 = arith.mulf %gather3A_633, %mul3A_635 : vector<16xf32>
    %add3A_637 = arith.addf %add3A_625, %mul3A_636 : vector<16xf32>
    %gather3A_638 = tpu.vector_load_idx %arg7[%add3A_386, %broadcast_in_dim3A_632] : memref<28x30xf32, #tpu.memory_space<vmem>>[vector<16xi32>, vector<16xi32>], vector<16xf32>,
    %mul3A_639 = arith.constant 2.000000e+01 : f32
    %mul3A_640 = vector.broadcast %mul3A_639 : f32 to vector<16xf32>
    %mul3A_641 = arith.mulf %gather3A_638, %mul3A_640 : vector<16xf32>
    %add3A_642 = arith.addf %add3A_630, %mul3A_641 : vector<16xf32>
    %broadcast_in_dim3A_643 = arith.constant 21 : i32
    %broadcast_in_dim3A_644 = vector.broadcast %broadcast_in_dim3A_643 : i32 to vector<16xi32>
    %gather3A_645 = tpu.vector_load_idx %arg6[%add3A_386, %broadcast_in_dim3A_644] : memref<28x30xf32, #tpu.memory_space<vmem>>[vector<16xi32>, vector<16xi32>], vector<16xf32>,
    %mul3A_646 = arith.constant 2.100000e+01 : f32
    %mul3A_647 = vector.broadcast %mul3A_646 : f32 to vector<16xf32>
    %mul3A_648 = arith.mulf %gather3A_645, %mul3A_647 : vector<16xf32>
    %add3A_649 = arith.addf %add3A_637, %mul3A_648 : vector<16xf32>
    %gather3A_650 = tpu.vector_load_idx %arg7[%add3A_386, %broadcast_in_dim3A_644] : memref<28x30xf32, #tpu.memory_space<vmem>>[vector<16xi32>, vector<16xi32>], vector<16xf32>,
    %mul3A_651 = arith.constant 2.100000e+01 : f32
    %mul3A_652 = vector.broadcast %mul3A_651 : f32 to vector<16xf32>
    %mul3A_653 = arith.mulf %gather3A_650, %mul3A_652 : vector<16xf32>
    %add3A_654 = arith.addf %add3A_642, %mul3A_653 : vector<16xf32>
    %broadcast_in_dim3A_655 = arith.constant 22 : i32
    %broadcast_in_dim3A_656 = vector.broadcast %broadcast_in_dim3A_655 : i32 to vector<16xi32>
    %gather3A_657 = tpu.vector_load_idx %arg6[%add3A_386, %broadcast_in_dim3A_656] : memref<28x30xf32, #tpu.memory_space<vmem>>[vector<16xi32>, vector<16xi32>], vector<16xf32>,
    %mul3A_658 = arith.constant 2.200000e+01 : f32
    %mul3A_659 = vector.broadcast %mul3A_658 : f32 to vector<16xf32>
    %mul3A_660 = arith.mulf %gather3A_657, %mul3A_659 : vector<16xf32>
    %add3A_661 = arith.addf %add3A_649, %mul3A_660 : vector<16xf32>
    %gather3A_662 = tpu.vector_load_idx %arg7[%add3A_386, %broadcast_in_dim3A_656] : memref<28x30xf32, #tpu.memory_space<vmem>>[vector<16xi32>, vector<16xi32>], vector<16xf32>,
    %mul3A_663 = arith.constant 2.200000e+01 : f32
    %mul3A_664 = vector.broadcast %mul3A_663 : f32 to vector<16xf32>
    %mul3A_665 = arith.mulf %gather3A_662, %mul3A_664 : vector<16xf32>
    %add3A_666 = arith.addf %add3A_654, %mul3A_665 : vector<16xf32>
    %broadcast_in_dim3A_667 = arith.constant 23 : i32
    %broadcast_in_dim3A_668 = vector.broadcast %broadcast_in_dim3A_667 : i32 to vector<16xi32>
    %gather3A_669 = tpu.vector_load_idx %arg6[%add3A_386, %broadcast_in_dim3A_668] : memref<28x30xf32, #tpu.memory_space<vmem>>[vector<16xi32>, vector<16xi32>], vector<16xf32>,
    %mul3A_670 = arith.constant 2.300000e+01 : f32
    %mul3A_671 = vector.broadcast %mul3A_670 : f32 to vector<16xf32>
    %mul3A_672 = arith.mulf %gather3A_669, %mul3A_671 : vector<16xf32>
    %add3A_673 = arith.addf %add3A_661, %mul3A_672 : vector<16xf32>
    %gather3A_674 = tpu.vector_load_idx %arg7[%add3A_386, %broadcast_in_dim3A_668] : memref<28x30xf32, #tpu.memory_space<vmem>>[vector<16xi32>, vector<16xi32>], vector<16xf32>,
    %mul3A_675 = arith.constant 2.300000e+01 : f32
    %mul3A_676 = vector.broadcast %mul3A_675 : f32 to vector<16xf32>
    %mul3A_677 = arith.mulf %gather3A_674, %mul3A_676 : vector<16xf32>
    %add3A_678 = arith.addf %add3A_666, %mul3A_677 : vector<16xf32>
    %broadcast_in_dim3A_679 = arith.constant 24 : i32
    %broadcast_in_dim3A_680 = vector.broadcast %broadcast_in_dim3A_679 : i32 to vector<16xi32>
    %gather3A_681 = tpu.vector_load_idx %arg6[%add3A_386, %broadcast_in_dim3A_680] : memref<28x30xf32, #tpu.memory_space<vmem>>[vector<16xi32>, vector<16xi32>], vector<16xf32>,
    %mul3A_682 = arith.constant 2.400000e+01 : f32
    %mul3A_683 = vector.broadcast %mul3A_682 : f32 to vector<16xf32>
    %mul3A_684 = arith.mulf %gather3A_681, %mul3A_683 : vector<16xf32>
    %add3A_685 = arith.addf %add3A_673, %mul3A_684 : vector<16xf32>
    %gather3A_686 = tpu.vector_load_idx %arg7[%add3A_386, %broadcast_in_dim3A_680] : memref<28x30xf32, #tpu.memory_space<vmem>>[vector<16xi32>, vector<16xi32>], vector<16xf32>,
    %mul3A_687 = arith.constant 2.400000e+01 : f32
    %mul3A_688 = vector.broadcast %mul3A_687 : f32 to vector<16xf32>
    %mul3A_689 = arith.mulf %gather3A_686, %mul3A_688 : vector<16xf32>
    %add3A_690 = arith.addf %add3A_678, %mul3A_689 : vector<16xf32>
    %broadcast_in_dim3A_691 = arith.constant 25 : i32
    %broadcast_in_dim3A_692 = vector.broadcast %broadcast_in_dim3A_691 : i32 to vector<16xi32>
    %gather3A_693 = tpu.vector_load_idx %arg6[%add3A_386, %broadcast_in_dim3A_692] : memref<28x30xf32, #tpu.memory_space<vmem>>[vector<16xi32>, vector<16xi32>], vector<16xf32>,
    %mul3A_694 = arith.constant 2.500000e+01 : f32
    %mul3A_695 = vector.broadcast %mul3A_694 : f32 to vector<16xf32>
    %mul3A_696 = arith.mulf %gather3A_693, %mul3A_695 : vector<16xf32>
    %add3A_697 = arith.addf %add3A_685, %mul3A_696 : vector<16xf32>
    %gather3A_698 = tpu.vector_load_idx %arg7[%add3A_386, %broadcast_in_dim3A_692] : memref<28x30xf32, #tpu.memory_space<vmem>>[vector<16xi32>, vector<16xi32>], vector<16xf32>,
    %mul3A_699 = arith.constant 2.500000e+01 : f32
    %mul3A_700 = vector.broadcast %mul3A_699 : f32 to vector<16xf32>
    %mul3A_701 = arith.mulf %gather3A_698, %mul3A_700 : vector<16xf32>
    %add3A_702 = arith.addf %add3A_690, %mul3A_701 : vector<16xf32>
    %broadcast_in_dim3A_703 = arith.constant 26 : i32
    %broadcast_in_dim3A_704 = vector.broadcast %broadcast_in_dim3A_703 : i32 to vector<16xi32>
    %gather3A_705 = tpu.vector_load_idx %arg6[%add3A_386, %broadcast_in_dim3A_704] : memref<28x30xf32, #tpu.memory_space<vmem>>[vector<16xi32>, vector<16xi32>], vector<16xf32>,
    %mul3A_706 = arith.constant 2.600000e+01 : f32
    %mul3A_707 = vector.broadcast %mul3A_706 : f32 to vector<16xf32>
    %mul3A_708 = arith.mulf %gather3A_705, %mul3A_707 : vector<16xf32>
    %add3A_709 = arith.addf %add3A_697, %mul3A_708 : vector<16xf32>
    %gather3A_710 = tpu.vector_load_idx %arg7[%add3A_386, %broadcast_in_dim3A_704] : memref<28x30xf32, #tpu.memory_space<vmem>>[vector<16xi32>, vector<16xi32>], vector<16xf32>,
    %mul3A_711 = arith.constant 2.600000e+01 : f32
    %mul3A_712 = vector.broadcast %mul3A_711 : f32 to vector<16xf32>
    %mul3A_713 = arith.mulf %gather3A_710, %mul3A_712 : vector<16xf32>
    %add3A_714 = arith.addf %add3A_702, %mul3A_713 : vector<16xf32>
    %broadcast_in_dim3A_715 = arith.constant 27 : i32
    %broadcast_in_dim3A_716 = vector.broadcast %broadcast_in_dim3A_715 : i32 to vector<16xi32>
    %gather3A_717 = tpu.vector_load_idx %arg6[%add3A_386, %broadcast_in_dim3A_716] : memref<28x30xf32, #tpu.memory_space<vmem>>[vector<16xi32>, vector<16xi32>], vector<16xf32>,
    %mul3A_718 = arith.constant 2.700000e+01 : f32
    %mul3A_719 = vector.broadcast %mul3A_718 : f32 to vector<16xf32>
    %mul3A_720 = arith.mulf %gather3A_717, %mul3A_719 : vector<16xf32>
    %add3A_721 = arith.addf %add3A_709, %mul3A_720 : vector<16xf32>
    %gather3A_722 = tpu.vector_load_idx %arg7[%add3A_386, %broadcast_in_dim3A_716] : memref<28x30xf32, #tpu.memory_space<vmem>>[vector<16xi32>, vector<16xi32>], vector<16xf32>,
    %mul3A_723 = arith.constant 2.700000e+01 : f32
    %mul3A_724 = vector.broadcast %mul3A_723 : f32 to vector<16xf32>
    %mul3A_725 = arith.mulf %gather3A_722, %mul3A_724 : vector<16xf32>
    %add3A_726 = arith.addf %add3A_714, %mul3A_725 : vector<16xf32>
    %broadcast_in_dim3A_727 = arith.constant 28 : i32
    %broadcast_in_dim3A_728 = vector.broadcast %broadcast_in_dim3A_727 : i32 to vector<16xi32>
    %gather3A_729 = tpu.vector_load_idx %arg6[%add3A_386, %broadcast_in_dim3A_728] : memref<28x30xf32, #tpu.memory_space<vmem>>[vector<16xi32>, vector<16xi32>], vector<16xf32>,
    %mul3A_730 = arith.constant 2.800000e+01 : f32
    %mul3A_731 = vector.broadcast %mul3A_730 : f32 to vector<16xf32>
    %mul3A_732 = arith.mulf %gather3A_729, %mul3A_731 : vector<16xf32>
    %add3A_733 = arith.addf %add3A_721, %mul3A_732 : vector<16xf32>
    %gather3A_734 = tpu.vector_load_idx %arg7[%add3A_386, %broadcast_in_dim3A_728] : memref<28x30xf32, #tpu.memory_space<vmem>>[vector<16xi32>, vector<16xi32>], vector<16xf32>,
    %mul3A_735 = arith.constant 2.800000e+01 : f32
    %mul3A_736 = vector.broadcast %mul3A_735 : f32 to vector<16xf32>
    %mul3A_737 = arith.mulf %gather3A_734, %mul3A_736 : vector<16xf32>
    %add3A_738 = arith.addf %add3A_726, %mul3A_737 : vector<16xf32>
    %broadcast_in_dim3A_739 = arith.constant 29 : i32
    %broadcast_in_dim3A_740 = vector.broadcast %broadcast_in_dim3A_739 : i32 to vector<16xi32>
    %gather3A_741 = tpu.vector_load_idx %arg6[%add3A_386, %broadcast_in_dim3A_740] : memref<28x30xf32, #tpu.memory_space<vmem>>[vector<16xi32>, vector<16xi32>], vector<16xf32>,
    %mul3A_742 = arith.constant 2.900000e+01 : f32
    %mul3A_743 = vector.broadcast %mul3A_742 : f32 to vector<16xf32>
    %mul3A_744 = arith.mulf %gather3A_741, %mul3A_743 : vector<16xf32>
    %add3A_745 = arith.addf %add3A_733, %mul3A_744 : vector<16xf32>
    %gather3A_746 = tpu.vector_load_idx %arg7[%add3A_386, %broadcast_in_dim3A_740] : memref<28x30xf32, #tpu.memory_space<vmem>>[vector<16xi32>, vector<16xi32>], vector<16xf32>,
    %mul3A_747 = arith.constant 2.900000e+01 : f32
    %mul3A_748 = vector.broadcast %mul3A_747 : f32 to vector<16xf32>
    %mul3A_749 = arith.mulf %gather3A_746, %mul3A_748 : vector<16xf32>
    %add3A_750 = arith.addf %add3A_738, %mul3A_749 : vector<16xf32>
    %convert_element_type3A_751 = arith.fptosi %add3A_745 : vector<16xf32> to vector<16xi32>
    %convert_element_type3A_752 = arith.fptosi %add3A_750 : vector<16xf32> to vector<16xi32>
    %gather3A_753 = tpu.vector_load_idx %arg8[%convert_element_type3A_752, %convert_element_type3A_751] : memref<30x30xf32, #tpu.memory_space<vmem>>[vector<16xi32>, vector<16xi32>], vector<16xf32>,
    %ne3A_754 = arith.constant 0.000000e+00 : f32
    %ne3A_755 = vector.broadcast %ne3A_754 : f32 to vector<16xf32>
    %ne3A_756 = arith.cmpf one, %gather3A_753, %ne3A_755 : vector<16xf32>
    %broadcast_in_dim3A_757 = arith.constant 1.000000e+00 : f32
    %broadcast_in_dim3A_758 = vector.broadcast %broadcast_in_dim3A_757 : f32 to vector<16xf32>
    %broadcast_in_dim3A_759 = arith.constant 0.000000e+00 : f32
    %broadcast_in_dim3A_760 = vector.broadcast %broadcast_in_dim3A_759 : f32 to vector<16xf32>
    %select_n3A_761 = arith.select %ne3A_756, %broadcast_in_dim3A_758, %broadcast_in_dim3A_760 : vector<16xi1>, vector<16xf32>
    %add3A_762 = arith.addi %add3A_386, %add3A_386 : vector<16xi32>
    %sub3A_763 = arith.constant 1.000000e+00 : f32
    %sub3A_764 = vector.broadcast %sub3A_763 : f32 to vector<16xf32>
    %sub3A_765 = arith.subf %sub3A_764, %select_n3A_761 : vector<16xf32>
    tpu.vector_store_idx %arg9[%add3A_762], %sub3A_765 : memref<56xf32, #tpu.memory_space<vmem>>[vector<16xi32>], vector<16xf32>,
    %add3A_766 = arith.constant 1 : i32
    %add3A_767 = vector.broadcast %add3A_766 : i32 to vector<16xi32>
    %add3A_768 = arith.addi %add3A_762, %add3A_767 : vector<16xi32>
    tpu.vector_store_idx %arg9[%add3A_768], %select_n3A_761 : memref<56xf32, #tpu.memory_space<vmem>>[vector<16xi32>], vector<16xf32>,
    %convert_element_type3A_769 = arith.extui %eq3A_1 : i1 to i32
    %cond3A = arith.constant 0 : i32
    %cond3A_770 = arith.cmpi ne, %convert_element_type3A_769, %cond3A : i32
    scf.if %cond3A_770 {
      %ge3A = arith.constant 26 : i32
      %ge3A_778 = vector.broadcast %ge3A : i32 to vector<16xi32>
      %ge3A_779 = arith.cmpi sge, %add3A_386, %ge3A_778 : vector<16xi32>
      %sub3A_780 = arith.constant 52 : i32
      %sub3A_781 = vector.broadcast %sub3A_780 : i32 to vector<16xi32>
      %sub3A_782 = arith.subi %add3A_762, %sub3A_781 : vector<16xi32>
      %sub3A_783 = arith.constant 1.000000e+00 : f32
      %sub3A_784 = vector.broadcast %sub3A_783 : f32 to vector<16xf32>
      %sub3A_785 = arith.subf %sub3A_784, %select_n3A_761 : vector<16xf32>
      tpu.vector_store_idx %arg9[%sub3A_782], %sub3A_785 masked %ge3A_779 : memref<56xf32, #tpu.memory_space<vmem>>[vector<16xi32>], vector<16xf32>, vector<16xi1>
      %add3A_786 = arith.constant 1 : i32
      %add3A_787 = vector.broadcast %add3A_786 : i32 to vector<16xi32>
      %add3A_788 = arith.addi %sub3A_782, %add3A_787 : vector<16xi32>
      tpu.vector_store_idx %arg9[%add3A_788], %select_n3A_761 masked %ge3A_779 : memref<56xf32, #tpu.memory_space<vmem>>[vector<16xi32>], vector<16xf32>, vector<16xi1>
    } else {
    }
    %not3A = arith.constant true
    %not3A_771 = arith.xori %eq3A_1, %not3A : i1
    %convert_element_type3A_772 = arith.extui %not3A_771 : i1 to i32
    %cond3A_773 = arith.constant 0 : i32
    %cond3A_774 = arith.cmpi ne, %convert_element_type3A_772, %cond3A_773 : i32
    scf.if %cond3A_774 {
      %mul3A_778 = arith.constant 56 : i32
      %mul3A_779 = arith.muli %mul3A_778, %add3A : i32
      "tpu.region"() ({
        %run_scoped3A = tpu.sem_alloc : memref<!tpu.dma_semaphore, #tpu.memory_space<semaphore_mem>>
        %dma_start3A = arith.constant 0 : i32
        %dma_start3A_780 = tpu.memref_slice %arg9[%dma_start3A] : memref<56xf32, #tpu.memory_space<vmem>> -> memref<56xf32, #tpu.memory_space<vmem>>
        %dma_start3A_781 = tpu.memref_slice %arg5[%mul3A_779] : memref<1792xf32, #tpu.memory_space<hbm>> -> memref<56xf32, #tpu.memory_space<hbm>>
        %dma_start3A_782 = tpu.memref_slice %arg5[%mul3A_779] : memref<1792xf32, #tpu.memory_space<hbm>> -> memref<56xf32, #tpu.memory_space<hbm>>
        %dma_start3A_783 = arith.constant 0 : i32
        %dma_start3A_784 = tpu.memref_slice %arg9[%dma_start3A_783] : memref<56xf32, #tpu.memory_space<vmem>> -> memref<56xf32, #tpu.memory_space<vmem>>
        tpu.enqueue_dma source(%dma_start3A_784 : memref<56xf32, #tpu.memory_space<vmem>>) target(%dma_start3A_782 : memref<56xf32, #tpu.memory_space<hbm>>) target_semaphore(%run_scoped3A : memref<!tpu.dma_semaphore, #tpu.memory_space<semaphore_mem>>)
        %dma_wait3A = arith.constant 0 : i32
        %dma_wait3A_785 = tpu.memref_slice %arg9[%dma_wait3A] : memref<56xf32, #tpu.memory_space<vmem>> -> memref<56xf32, #tpu.memory_space<vmem>>
        %dma_wait3A_786 = tpu.memref_slice %arg5[%mul3A_779] : memref<1792xf32, #tpu.memory_space<hbm>> -> memref<56xf32, #tpu.memory_space<hbm>>
        %dma_wait3A_787 = tpu.memref_slice %arg5[%mul3A_779] : memref<1792xf32, #tpu.memory_space<hbm>> -> memref<56xf32, #tpu.memory_space<hbm>>
        %dma_wait3A_788 = arith.constant 0 : i32
        %dma_wait3A_789 = tpu.memref_slice %arg9[%dma_wait3A_788] : memref<56xf32, #tpu.memory_space<vmem>> -> memref<56xf32, #tpu.memory_space<vmem>>
        tpu.wait_dma2 semaphore(%run_scoped3A : memref<!tpu.dma_semaphore, #tpu.memory_space<semaphore_mem>>) src(%dma_wait3A_789 : memref<56xf32, #tpu.memory_space<vmem>>) dst(%dma_wait3A_787 : memref<56xf32, #tpu.memory_space<hbm>>)
        tpu.yield
      }) : () -> ()
    } else {
    }
    %convert_element_type3A_775 = arith.extui %eq3A_1 : i1 to i32
    %cond3A_776 = arith.constant 0 : i32
    %cond3A_777 = arith.cmpi ne, %convert_element_type3A_775, %cond3A_776 : i32
    scf.if %cond3A_777 {
      "tpu.region"() ({
        %run_scoped3A = tpu.sem_alloc : memref<!tpu.dma_semaphore, #tpu.memory_space<semaphore_mem>>
        %dma_start3A = arith.constant 0 : i32
        %dma_start3A_778 = tpu.memref_slice %arg9[%dma_start3A] : memref<56xf32, #tpu.memory_space<vmem>> -> memref<8xf32, #tpu.memory_space<vmem>>
        %dma_start3A_779 = arith.constant 1736 : i32
        %dma_start3A_780 = tpu.memref_slice %arg5[%dma_start3A_779] : memref<1792xf32, #tpu.memory_space<hbm>> -> memref<8xf32, #tpu.memory_space<hbm>>
        %dma_start3A_781 = arith.constant 1736 : i32
        %dma_start3A_782 = tpu.memref_slice %arg5[%dma_start3A_781] : memref<1792xf32, #tpu.memory_space<hbm>> -> memref<8xf32, #tpu.memory_space<hbm>>
        %dma_start3A_783 = arith.constant 0 : i32
        %dma_start3A_784 = tpu.memref_slice %arg9[%dma_start3A_783] : memref<56xf32, #tpu.memory_space<vmem>> -> memref<8xf32, #tpu.memory_space<vmem>>
        tpu.enqueue_dma source(%dma_start3A_784 : memref<8xf32, #tpu.memory_space<vmem>>) target(%dma_start3A_782 : memref<8xf32, #tpu.memory_space<hbm>>) target_semaphore(%run_scoped3A : memref<!tpu.dma_semaphore, #tpu.memory_space<semaphore_mem>>)
        %dma_wait3A = arith.constant 0 : i32
        %dma_wait3A_785 = tpu.memref_slice %arg9[%dma_wait3A] : memref<56xf32, #tpu.memory_space<vmem>> -> memref<8xf32, #tpu.memory_space<vmem>>
        %dma_wait3A_786 = arith.constant 1736 : i32
        %dma_wait3A_787 = tpu.memref_slice %arg5[%dma_wait3A_786] : memref<1792xf32, #tpu.memory_space<hbm>> -> memref<8xf32, #tpu.memory_space<hbm>>
        %dma_wait3A_788 = arith.constant 1736 : i32
        %dma_wait3A_789 = tpu.memref_slice %arg5[%dma_wait3A_788] : memref<1792xf32, #tpu.memory_space<hbm>> -> memref<8xf32, #tpu.memory_space<hbm>>
        %dma_wait3A_790 = arith.constant 0 : i32
        %dma_wait3A_791 = tpu.memref_slice %arg9[%dma_wait3A_790] : memref<56xf32, #tpu.memory_space<vmem>> -> memref<8xf32, #tpu.memory_space<vmem>>
        tpu.wait_dma2 semaphore(%run_scoped3A : memref<!tpu.dma_semaphore, #tpu.memory_space<semaphore_mem>>) src(%dma_wait3A_791 : memref<8xf32, #tpu.memory_space<vmem>>) dst(%dma_wait3A_789 : memref<8xf32, #tpu.memory_space<hbm>>)
        tpu.yield
      }) : () -> ()
    } else {
    }
    return
  }
}

module attributes {stable_mosaic.version = 14 : i64} {
  func.func @_bcast_body(%arg0: i32, %arg1: memref<1792xf32, #tpu.memory_space<vmem>>, %arg2: memref<128x1740xf32, #tpu.memory_space<vmem>>) attributes {dimension_semantics = [#tpu.dimension_semantics<arbitrary>], iteration_bounds = array<i64: 1>, scalar_prefetch = 0 : i64, scratch_operands = 0 : i64, tpu.core_type = #tpu.core_type<tc>, window_params = [{pipeline_mode = #tpu.pipeline_mode<synchronous>, transform_indices = @transform_0, window_bounds = array<i64: 1792>}, {transform_indices = @transform_1, window_bounds = array<i64: 128, 1740>}]} {
    %get3A = arith.constant 0 : index
    %get3A_0 = vector.load %arg1[%get3A] : memref<1792xf32, #tpu.memory_space<vmem>>, vector<1740xf32>
    %broadcast_in_dim3A = vector.shape_cast %get3A_0 : vector<1740xf32> to vector<1x1740xf32>
    %broadcast_in_dim3A_1 = vector.shape_cast %broadcast_in_dim3A : vector<1x1740xf32> to vector<1x1740xf32>
    %broadcast_in_dim3A_2 = vector.broadcast %broadcast_in_dim3A_1 : vector<1x1740xf32> to vector<128x1740xf32>
    %swap3A = arith.constant 0 : index
    %swap3A_3 = arith.constant 0 : index
    %swap3A_4 = vector.load %arg2[%swap3A, %swap3A_3] : memref<128x1740xf32, #tpu.memory_space<vmem>>, vector<128x1740xf32>
    tpu.vector_store %arg2[%swap3A, %swap3A_3], %broadcast_in_dim3A_2 {strides = array<i32>} : memref<128x1740xf32, #tpu.memory_space<vmem>>, vector<128x1740xf32>,
    return
  }
  func.func @transform_0(%arg0: i32) -> i32 {
    %c0_i32 = arith.constant 0 : i32
    %c0_i32_0 = arith.constant 0 : i32
    return %c0_i32 : i32
  }
  func.func @transform_1(%arg0: i32) -> (i32, i32) {
    %c0_i32 = arith.constant 0 : i32
    %c0_i32_0 = arith.constant 0 : i32
    return %arg0, %c0_i32 : i32, i32
  }
}

</mosaic_0001>

<sc_bundles>
// kernel: kernel.4.cloned.1.call-start
scs
__scs_entry_jumppad:
0x0: {  	(pc) =	sbr.rel $0x88, $3  }
0x1: {  	(tag) =	ssettag $0x0;
	lr =	simm.s32 $0x1  }
0x2: {  	[smem:$0x3F9E] =	sst lr;
	_ =	strace $0xD0000000  }
0x3: {  	_ = 	snop  }
0x4: {  	_ = 	snop  }
0x5: {  	_ = 	snop  }
0x6: {  	_ = 	snop  }
0x7: {  	_ = 	snop  }
__scs_overlays_trampoline_lowered:
0x8: {  	[smem:$0x3FAD] =	sst s0  }
0x9: {  	[smem:$0x3FAE] =	sst s1  }
0xa: {  	[smem:$0x3FAF] =	sst s2  }
0xb: {  	[smem:$0x3FB0] =	sst s3  }
0xc: {  	[smem:$0x3FB1] =	sst s4  }
0xd: {  	[smem:$0x3FB2] =	sst s5  }
0xe: {  	[smem:$0x3FB3] =	sst s6  }
0xf: {  	[smem:$0x3FB4] =	sst s7  }
0x10: {  	[smem:$0x3FB5] =	sst s8  }
0x11: {  	[smem:$0x3FB6] =	sst s9;
	s0 =	simm.s32 @!p0 $0x0  }
0x12: {  	s1 =	sld [smem:$0x3F9C];
	s0 =	simm.s32 @p0 $0x1  }
0x13: {  	[smem:$0x3FB7] =	sst s0;
	s0 =	simm.s32 @!p1 $0x0  }
0x14: {  	s2 =	sld [smem:$0x3F9B];
	s0 =	simm.s32 @p1 $0x1  }
0x15: {  	[smem:$0x3FB8] =	sst s0;
	s0 =	simm.s32 @!p2 $0x0  }
0x16: {  	s3 =	sld [smem:$0x3FDB];
	s0 =	simm.s32 @p2 $0x1  }
0x17: {  	s4 =	simm.s32 $0x1BF5;
	[smem:$0x3FBA] =	sst s0  }
0x18: {  	s0 =	sld [smem:$0x3F9D];
	_ =	swait.ge [sflag:s4], $0x0  }
0x19: {  	s7 =	sld [smem:$0x3F9E]  }
0x1a: {  	s8 =	sadd.s32 $0xFFFFE003, lr  }
0x1b: {  	s9 =	sadd.s32 $0xFFFFFEF7, lr;
	s5 =	simm.s32 $0xFFFFFFFF;
	p2 =	slt.u32 s8, $0xFFFFF086  }
0x1c: {  	p1 =	slt.u32 s9, $0xF7A;
	s5 =	simm.s32 @!p2 $0x0  }
0x1d: {  	s5 =	simm.s32 @p1 $0x1;
	p0 =	seq.s32 s7, s2  }
0x1e: {  	s7 =	smul.u32 @!p0 $0xF7A, s2;
	p2 =	seq.s32 @!p0 s5, $0x0  }
0x1f: {  	s9 =	smul.u32 $0xF7A, s1;
	s8 =	simm.s32 @!p0 $0x1BF5;
	p2 =	por !p2, p0  }
0x20: {  	[sflag:s8] =	ssyncset.s32 @!p0 $0xFFFFF086;
	s6 =	sadd.s32 @!p0 s3, s7;
	s7 =	simm.s32 @!p0 $0x108  }
0x21: {  	s3 =	sadd.s32 s3, s9;
	s6 =	sadd.s32 @!p0 $0x88, s6;
	s7 =	simm.s32 @p2 $0x1082  }
0x22: {  	[simem:s7], [sflag:s8] =	dma.local @!p0 [hbm:s6], $0xF7A  }
0x23: {  	s9 =	sor.u32 $0xD0000000, s2;
	s6 =	simm.s32 $0x108;
	_ =	swait.ge @!p0 [sflag:s8], $0x0  }
0x24: {  	s3 =	sadd.s32 $0x88, s3;
	s6 =	simm.s32 @!p1 $0x1082;
	[sflag:s4] =	ssyncset.s32 $0xFFFFF086  }
0x25: {  	[simem:s6], [sflag:s4] =	dma.local [hbm:s3], $0xF7A  }
0x26: {  	[smem:$0x3F9E] =	sst s1;
	(tag) =	ssettag s2;
	_ =	strace s9  }
0x27: {  	s1 =	sld [smem:$0x3FAE]  }
0x28: {  	s2 =	sld [smem:$0x3FAF]  }
0x29: {  	s4 =	sld [smem:$0x3FB1]  }
0x2a: {  	p0 =	seq.s32 s5, $0x0;
	s5 =	sld [smem:$0x3FB2]  }
0x2b: {  	s6 =	sld [smem:$0x3FB3]  }
0x2c: {  	s7 =	sld [smem:$0x3FB4]  }
0x2d: {  	s3 =	simm.s32 $0x108;
	s8 =	sld [smem:$0x3FB5]  }
0x2e: {  	s3 =	simm.s32 @!p0 $0x1082;
	s9 =	sld [smem:$0x3FB6]  }
0x2f: {  	lr =	sadd.s32 s0, s3;
	s0 =	sld [smem:$0x3FAD]  }
0x30: {  	s3 =	sld [smem:$0x3FB0]  }
0x31: {  	[smem:$0x3FB9] =	sst s10  }
0x32: {  	s10 =	sld [smem:$0x3FB7];
	_ =	sdelay $0x3  }
0x33: {  	p0 =	seq.s32 s10, $0x1;
	s10 =	sld [smem:$0x3FB9];
	_ =	sdelay $0x3  }
0x34: {  	[smem:$0x3FB9] =	sst s10  }
0x35: {  	s10 =	sld [smem:$0x3FB8];
	_ =	sdelay $0x3  }
0x36: {  	p1 =	seq.s32 s10, $0x1;
	s10 =	sld [smem:$0x3FB9];
	_ =	sdelay $0x3  }
0x37: {  	[smem:$0x3FB9] =	sst s10  }
0x38: {  	s10 =	sld [smem:$0x3FBA]  }
0x39: {  	_ = 	snop;
	(pc) =	sbr.ind lr, $3  }
0x3a: {  	_ = 	snop  }
0x3b: {  	_ = 	snop  }
0x3c: {  	p2 =	seq.s32 s10, $0x1;
	s10 =	sld [smem:$0x3FB9]  }
0x3d: {  	_ =	shalt  }
0x3e: {  	_ =	shalt  }
0x3f: {  	_ =	shalt  }
0x40: {  	_ =	shalt  }
0x41: {  	_ =	shalt  }
0x42: {  	_ =	shalt  }
0x43: {  	_ =	shalt  }
0x44: {  	_ =	shalt  }
0x45: {  	_ =	shalt  }
0x46: {  	_ =	shalt  }
0x47: {  	_ =	shalt  }
0x48: {  	_ =	shalt  }
0x49: {  	_ =	shalt  }
0x4a: {  	_ =	shalt  }
0x4b: {  	_ =	shalt  }
0x4c: {  	_ =	shalt  }
0x4d: {  	_ =	shalt  }
0x4e: {  	_ =	shalt  }
0x4f: {  	_ =	shalt  }
0x50: {  	_ =	shalt  }
0x51: {  	_ =	shalt  }
0x52: {  	_ =	shalt  }
0x53: {  	_ =	shalt  }
0x54: {  	_ =	shalt  }
0x55: {  	_ =	shalt  }
0x56: {  	_ =	shalt  }
0x57: {  	_ =	shalt  }
0x58: {  	_ =	shalt  }
0x59: {  	_ =	shalt  }
0x5a: {  	_ =	shalt  }
0x5b: {  	_ =	shalt  }
0x5c: {  	_ =	shalt  }
0x5d: {  	_ =	shalt  }
0x5e: {  	_ =	shalt  }
0x5f: {  	_ =	shalt  }
0x60: {  	_ =	shalt  }
0x61: {  	_ =	shalt  }
0x62: {  	_ =	shalt  }
0x63: {  	_ =	shalt  }
0x64: {  	_ =	shalt  }
0x65: {  	_ =	shalt  }
0x66: {  	_ =	shalt  }
0x67: {  	_ =	shalt  }
0x68: {  	_ =	shalt  }
0x69: {  	_ =	shalt  }
0x6a: {  	_ =	shalt  }
0x6b: {  	_ =	shalt  }
0x6c: {  	_ =	shalt  }
0x6d: {  	_ =	shalt  }
0x6e: {  	_ =	shalt  }
0x6f: {  	_ =	shalt  }
0x70: {  	_ =	shalt  }
0x71: {  	_ =	shalt  }
0x72: {  	_ =	shalt  }
0x73: {  	_ =	shalt  }
0x74: {  	_ =	shalt  }
0x75: {  	_ =	shalt  }
0x76: {  	_ =	shalt  }
0x77: {  	_ =	shalt  }
0x78: {  	_ =	shalt  }
0x79: {  	_ =	shalt  }
0x7a: {  	_ =	shalt  }
0x7b: {  	_ =	shalt  }
0x7c: {  	_ =	shalt  }
0x7d: {  	_ =	shalt  }
0x7e: {  	_ =	shalt  }
0x7f: {  	_ =	shalt  }
0x80: {  	_ =	shalt  }
0x81: {  	_ =	shalt  }
0x82: {  	_ =	shalt  }
0x83: {  	_ =	shalt  }
0x84: {  	_ =	shalt  }
0x85: {  	_ =	shalt  }
0x86: {  	_ =	shalt  }
0x87: {  	_ =	shalt  }
.Lfunc_end0:
.L_simem_size_0:
called_computation_lowered:
.L_overlay_start_0:
0x88: {  	s2 =	sld [smem:$0x3FD9]  }
0x89: {  	s3 =	sld [smem:$0x3FFE];
	_ =	sdelay $0x1  }
0x8a: {  	s1 =	srdreg.scid  }
0x8b: {  	s0 =	sand.u32 $0x1, s1  }
0x8c: {  	s17 =	sshll.u32 s0, $0xA;
	s2 =	sadd.s32 s3, s2  }
0x8d: {  	s2 =	sadd.s32 s2, s17  }
0x8e: {  	[smem:$0x3FC5] =	sst s2  }
0x8f: {  	_ = 	snop  }
0x90: {  	s2 =	sld [smem:$0x3FD0];
	(tm) =	ssettm $0x1  }
0x91: {  	s18 =	sld [smem:$0x3FFB];
	_ =	sdelay $0x3  }
0x92: {  	_ =	strace s18  }
0x93: {  	s3 =	sld [smem:$0x3FFC];
	_ =	sdelay $0x3  }
0x94: {  	_ =	strace s3  }
0x95: {  	s3 =	sld [smem:$0x3FFD];
	_ =	sdelay $0x3  }
0x96: {  	_ =	strace s3  }
0x97: {  	_ =	strace $0x8FFFFFFF  }
0x98: {  	s19 =	sld [smem:$0x3FDB];
	_ =	sdelay $0x1  }
0x99: {  	s4 =	simm.s32 $_scs_section_size  }
0x9a: {  	s5 =	simm.s32 $_size__tile_overlayer_lowered;
	s6 =	simm.s32 $_tile_overlayer_lowered  }
0x9b: {  	s22 =	simm.s32 $0x1BFF;
	s21 =	sshll.u32 s6, $0x1;
	s3 =	sadd.s32 s4, s19  }
0x9c: {  	s7 =	simm.s32 $0x0;
	s20 =	sshll.u32 s5, $0x1;
	s5 =	sadd.s32 s21, s3  }
0x9d: {  	[timem:s7], [sflag:s22] =	dma.local [hbm:s5], s20  }
0x9e: {  	_ =	swait.ge [sflag:s22], s20  }
0x9f: {  	s4 =	ssub.s32 $0x0, s20;
	[sflag:s22] =	ssyncset.done $0x0  }
0xa0: {  	[sflag:s22] =	ssyncadd.s32 s4;
	_ =	sdelay $0x1  }
0xa1: {  	s23 =	simm.s32 $0x1B8B  }
0xa2: {  	_ =	swait.ge [sflag:s23], $0x1  }
0xa3: {  	[sflag:s23] =	ssyncset.done $0x0  }
0xa4: {  	s25 =	simm.s32 $0x1B8E;
	s24 =	sld [smem:$0x3FFE];
	[sflag:s23] =	ssyncadd.s32 $0xFFFFFFFF  }
0xa5: {  	s26 =	simm.s32 $execute0_lowered;
	[smem:$0x3FD2] =	sst s25  }
0xa6: {  	s5 =	sshll.u32 s26, $0x1;
	_ =	strace $0x80000046;
	[dreg:$0x1] =	wrdreg $0xFFFFFFFF  }
0xa7: {  	s28 =	simm.s32 $_size_execute0_lowered;
	s3 =	sadd.s32 s3, s5;
	[dreg:$0x0] =	wrdreg $0x0  }
0xa8: {  	s5 =	sshll.u32 s28, $0x1;
	[dreg:$0x2] =	wrdreg s3  }
0xa9: {  	[dreg:$0x3] =	wrdreg s5  }
0xaa: {  	[dreg:$0x4] =	wrdreg $0xC0  }
0xab: {  	_ =	task [dreg:s7], $0x5FFFF  }
0xac: {  	[dreg:$0x1] =	wrdreg $0xFFFFFFFF  }
0xad: {  	[dreg:$0x0] =	wrdreg $0x60  }
0xae: {  	[dreg:$0x2] =	wrdreg s2  }
0xaf: {  	[dreg:$0x3] =	wrdreg s24  }
0xb0: {  	[dreg:$0x4] =	wrdreg $0x9  }
0xb1: {  	_ =	task.clear_ibuf [dreg:s7], $0x5FFFF;
	_ =	strace $0x90000046  }
0xb2: {  	s29 =	simm.s32 $0x9;
	_ =	strace $0x80000048  }
0xb3: {  	_ =	swait.ge [sflag:s29], $0x1  }
0xb4: {  	[sflag:s29] =	ssyncadd.s32 $0xFFFFFFFF  }
0xb5: {  	_ =	strace $0x90000048  }
0xb6: {  	_ =	sfence  }
0xb7: {  	s30 =	sld [smem:$0x0];
	_ =	sdelay $0x2  }
0xb8: {  	s31 =	sshll.u32 s1, $0xD;
	s1 =	sshrl.u32 s1, $0x2  }
0xb9: {  	s3 =	sand.u32 $0x4000, s31;
	s1 =	sadd.s32 s1, s30  }
0xba: {  	s0 =	sor.u32 s3, s0;
	s1 =	sshll.u32 s1, $0x11  }
0xbb: {  	s0 =	sor.u32 s1, s0  }
0xbc: {  	s0 =	sadd.s32 $0x8F2B, s0  }
0xbd: {  	[sflag:s0] =	ssyncadd.remote.s32 $0x1  }
0xbe: {  	_ =	sfence.sel $0xFFFF  }
0xbf: {  	[dreg:$0x0] =	wrdreg $0xFFFFFFFF;
	(pc) =	sbr.abs _section_cstart, $3  }
0xc0: {  	[dreg:$0x1] =	wrdreg $0xFFFFFFFF  }
0xc1: {  	_ =	task.clear_ibuf [dreg:s7], $0x2FFFF;
	_ =	strace $0x9FFFFFFF  }
0xc2: {  	(tm) =	ssettm $0x7FFFFFFF  }
0xc3: {  	_ =	shalt  }
tec
execute0_lowered:
.L_overlay_start_1:
0x0: {  	(tag) =	ssettag $0x1  }
0x1: {  	v27 =	vlaneseq.u32  }
0x2: {  	v0 =	vmul.u32 $0x20, v27;
	_ =	sdelay $0x1  }
0x3: {  	v27 =	vmul.u32 $0x2, v27;
	v1 =	vor.u32 $0x1, v0  }
0x4: {  	v10 =	vor.u32 $0x9, v0;
	v11 =	vor.u32 $0xA, v0;
	v12 =	vor.u32 $0xB, v0  }
0x5: {  	v13 =	vor.u32 $0xC, v0;
	v14 =	vor.u32 $0xD, v0;
	v15 =	vor.u32 $0xE, v0  }
0x6: {  	v16 =	vor.u32 $0xF, v0;
	v17 =	vor.u32 $0x10, v0;
	v18 =	vor.u32 $0x11, v0  }
0x7: {  	v19 =	vor.u32 $0x12, v0;
	v20 =	vor.u32 $0x13, v0;
	v21 =	vor.u32 $0x14, v0  }
0x8: {  	v22 =	vor.u32 $0x15, v0;
	v23 =	vor.u32 $0x16, v0;
	v24 =	vor.u32 $0x17, v0  }
0x9: {  	v25 =	vor.u32 $0x18, v0;
	v26 =	vor.u32 $0x19, v0;
	v28 =	vor.u32 $0x1A, v0  }
0xa: {  	v29 =	vor.u32 $0x1B, v0;
	v30 =	vor.u32 $0x1C, v0;
	v31 =	vor.u32 $0x1D, v0  }
0xb: {  	v33 =	vadd.s32 $0x180, v0;
	v34 =	vadd.s32 $0x181, v0;
	v35 =	vadd.s32 $0x182, v0  }
0xc: {  	v36 =	vadd.s32 $0x183, v0;
	v37 =	vadd.s32 $0x184, v0;
	v38 =	vadd.s32 $0x185, v0  }
0xd: {  	s1 =	srdreg.scid;
	v39 =	vadd.s32 $0x186, v0;
	v40 =	vadd.s32 $0x187, v0;
	v41 =	vadd.s32 $0x188, v0  }
0xe: {  	s0 =	stileid.u32;
	s4 =	rddreg [dreg:$0x0];
	v42 =	vadd.s32 $0x189, v0;
	v43 =	vadd.s32 $0x18A, v0;
	v44 =	vadd.s32 $0x18B, v0  }
0xf: {  	s7 =	rddreg [dreg:$0x1];
	s3 =	sand.u32 $0x1, s1;
	s31 =	sshll.u32 s0, $0x1;
	v45 =	vadd.s32 $0x18C, v0;
	v46 =	vadd.s32 $0x18D, v0;
	[tilespmem:$0x1FF80] =	vst v1;
	v1 =	vor.u32 $0x2, v0  }
0x10: {  	s2 =	simm.s32 $0x0;
	s12 =	simm.s32 $0xAC0;
	s5 =	sor.u32 s3, s31;
	v47 =	vadd.s32 $0x18E, v0;
	v48 =	vadd.s32 $0x18F, v0;
	[tilespmem:$0x1FF90] =	vst v1;
	v1 =	vor.u32 $0x3, v0  }
0x11: {  	s1 =	rddreg [dreg:$0x2];
	s8 =	ssub.s32 $0x2, s3;
	s6 =	smul.u32 $0x70, s5;
	v49 =	vadd.s32 $0x190, v0;
	v50 =	vadd.s32 $0x191, v0;
	[tilespmem:$0x1FFA0] =	vst v1;
	v1 =	vor.u32 $0x4, v0  }
0x12: {  	p0 =	seq.s32 s5, $0x1F;
	s5 =	smul.u32 $0x7, s5;
	s10 =	sshrl.u32 s8, $0x1;
	v51 =	vadd.s32 $0x192, v0;
	v52 =	vadd.s32 $0x193, v0;
	[tilespmem:$0x1FFB0] =	vst v1;
	v1 =	vor.u32 $0x5, v0  }
0x13: {  	[smem:$0x7FF] =	sst s2;
	s3 =	sadd.s32 $0x800, s7;
	v53 =	vadd.s32 $0x194, v0;
	v54 =	vadd.s32 $0x195, v0;
	s8 =	ssub.s32 s8, s10;
	[tilespmem:$0x1FFC0] =	vst v1;
	v1 =	vor.u32 $0x6, v0  }
0x14: {  	v55 =	vadd.s32 $0x196, v0;
	v56 =	vadd.s32 $0x197, v0;
	s10 =	simm.s32 $0x380;
	s6 =	simm.s32 @p0 $0xD28;
	s11 =	sadd.s32 s5, s7;
	[tilespmem:$0x1FFD0] =	vst v1;
	v1 =	vor.u32 $0x7, v0  }
0x15: {  	v57 =	vadd.s32 $0x198, v0;
	v58 =	vadd.s32 $0x199, v0;
	s8 =	smax.u32 s8, $0x1;
	s9 =	sadd.s32 s6, s7;
	s4 =	sadd.s32 s4, s6;
	[tilespmem:$0x1FFE0] =	vst v1;
	v1 =	vor.u32 $0x1, v27  }
0x16: {  	v9 =	vor.u32 $0x8, v0;
	v59 =	vadd.s32 $0x19A, v0;
	v60 =	vadd.s32 $0x19B, v0;
	s6 =	sadd.s32 $0x1800, s11;
	s7 =	sadd.s32 $0x18D9, s7;
	s11 =	simm.s32 $0x700;
	[tilespmem:$0x1FFF0] =	vst v1  }
0x17: {  	v61 =	vadd.s32 $0x19C, v0;
	v62 =	vadd.s32 $0x19D, v0;
	vm0 =	vcmask @p0 $0x3F38;
	s5 =	sadd.s32 $0xA00, s9;
	s9 =	simm.s32 $0x1;
	_ =	strace $0x80000047  }
.LBB2_1:
0x18: {  	[tilespmem:s2], [sflag:$0x1] =	stream.linear.gather [hbm4b:s4+s2], $0x380, $0x38;
	[tilespmem:$0xAF8] =	vst v63  }
0x19: {  	_ =	swait.ge [sflag:s9], $0x380  }
0x1a: {  	[sflag:s9] =	ssyncset.done $0x0  }
0x1b: {  	[sflag:s9] =	ssyncadd.s32 $0xFFFFFC80  }
0x1c: {  	[tilespmem:s10], [sflag:$0x1] =	stream.linear.gather [hbm4b:s5+s2], $0x380, $0x38;
	[tilespmem:$0xAF8] =	vst v63  }
0x1d: {  	_ =	swait.ge [sflag:s9], $0x380  }
0x1e: {  	[sflag:s9] =	ssyncset.done $0x0  }
0x1f: {  	[sflag:s9] =	ssyncadd.s32 $0xFFFFFC80  }
0x20: {  	[tilespmem:s11], [sflag:$0x1] =	stream.linear.gather [hbm4b:s3+s2], $0x3C0, $0x38;
	[tilespmem:$0xAF8] =	vst v63  }
0x21: {  	_ =	swait.ge [sflag:s9], $0x3C0  }
0x22: {  	v2 =	vld [tilespmem:$0x1FF80];
	_ =	sdelay $0x1  }
0x23: {  	[sflag:s9] =	ssyncset.done $0x0  }
0x24: {  	v8 =	vld [tilespmem:$0x1FFB0];
	[sflag:s9] =	ssyncadd.s32 $0xFFFFFC40  }
0x25: {  	v63 =	vld.idx.msk [tilespmem:v0+s2+$0x0], $0xffff;
	_ =	sdelay $0x2  }
0x26: {  	v4 =	vld [tilespmem:$0x1FF90]  }
0x27: {  	v32 =	vld.idx.msk [tilespmem:v2+s2+$0x0], $0xffff  }
0x28: {  	v63 =	vmul.f32 $0.0e+00, v63;
	_ =	sdelay $0x1  }
0x29: {  	v1 =	vld.idx.msk [tilespmem:v0+s10+$0x0], $0xffff;
	v63 =	vadd.f32 $0.0e+00, v63  }
0x2a: {  	v7 =	vld.idx.msk [tilespmem:v8+s2+$0x0], $0xffff  }
0x2b: {  	v32 =	vadd.f32 v32, v63;
	v63 =	vld.idx.msk [tilespmem:v8+s10+$0x0], $0xffff  }
0x2c: {  	v8 =	vld [tilespmem:$0x1FFC0]  }
0x2d: {  	v2 =	vld.idx.msk [tilespmem:v2+s10+$0x0], $0xffff  }
0x2e: {  	v3 =	vld.idx.msk [tilespmem:v4+s2+$0x0], $0xffff  }
0x2f: {  	v4 =	vld.idx.msk [tilespmem:v4+s10+$0x0], $0xffff  }
0x30: {  	v6 =	vld [tilespmem:$0x1FFA0];
	v1 =	vmul.f32 $0.0e+00, v1;
	_ =	sdelay $0x1  }
0x31: {  	v1 =	vadd.f32 $0.0e+00, v1  }
0x32: {  	v3 =	vadd.f32 v3, v3  }
0x33: {  	v1 =	vadd.f32 v2, v1;
	v2 =	vadd.f32 v4, v4;
	v4 =	vld.idx.msk [tilespmem:v8+s2+$0x0], $0xffff  }
0x34: {  	v3 =	vadd.f32 v3, v32;
	v32 =	vld.idx.msk [tilespmem:v8+s10+$0x0], $0xffff  }
0x35: {  	v8 =	vld [tilespmem:$0x1FFD0];
	_ =	sdelay $0x1  }
0x36: {  	v5 =	vld.idx.msk [tilespmem:v6+s2+$0x0], $0xffff  }
0x37: {  	v6 =	vld.idx.msk [tilespmem:v6+s10+$0x0], $0xffff;
	_ =	sdelay $0x3  }
0x38: {  	v5 =	vmul.f32 $3.000000000e+00, v5  }
0x39: {  	v1 =	vadd.f32 v2, v1;
	v2 =	vmul.f32 $3.000000000e+00, v6;
	v6 =	vld.idx.msk [tilespmem:v8+s2+$0x0], $0xffff  }
0x3a: {  	v3 =	vadd.f32 v5, v3;
	v5 =	vmul.f32 $4.000000000e+00, v7;
	v7 =	vld.idx.msk [tilespmem:v8+s10+$0x0], $0xffff  }
0x3b: {  	v8 =	vld [tilespmem:$0x1FFE0];
	_ =	sdelay $0x7  }
0x3c: {  	v1 =	vadd.f32 v2, v1;
	v2 =	vmul.f32 $4.000000000e+00, v63;
	v63 =	vld.idx.msk [tilespmem:v8+s2+$0x0], $0xffff  }
0x3d: {  	v3 =	vadd.f32 v5, v3;
	v4 =	vmul.f32 $5.000000000e+00, v4;
	v5 =	vld.idx.msk [tilespmem:v8+s10+$0x0], $0xffff  }
0x3e: {  	v1 =	vadd.f32 v2, v1;
	v2 =	vmul.f32 $5.000000000e+00, v32;
	v32 =	vld.idx.msk [tilespmem:v9+s2+$0x0], $0xffff  }
0x3f: {  	v3 =	vadd.f32 v4, v3;
	v4 =	vmul.f32 $6.000000000e+00, v6;
	v6 =	vld.idx.msk [tilespmem:v9+s10+$0x0], $0xffff  }
0x40: {  	v1 =	vadd.f32 v2, v1;
	v2 =	vmul.f32 $6.000000000e+00, v7;
	v7 =	vld.idx.msk [tilespmem:v10+s2+$0x0], $0xffff  }
0x41: {  	v3 =	vadd.f32 v4, v3;
	v4 =	vmul.f32 $7.000000000e+00, v63;
	v63 =	vld.idx.msk [tilespmem:v10+s10+$0x0], $0xffff  }
0x42: {  	v1 =	vadd.f32 v2, v1;
	v2 =	vmul.f32 $7.000000000e+00, v5;
	v5 =	vld.idx.msk [tilespmem:v11+s2+$0x0], $0xffff  }
0x43: {  	v3 =	vadd.f32 v4, v3;
	v4 =	vmul.f32 $8.000000000e+00, v32;
	v32 =	vld.idx.msk [tilespmem:v11+s10+$0x0], $0xffff  }
0x44: {  	v1 =	vadd.f32 v2, v1;
	v2 =	vmul.f32 $8.000000000e+00, v6;
	v6 =	vld.idx.msk [tilespmem:v12+s2+$0x0], $0xffff  }
0x45: {  	v3 =	vadd.f32 v4, v3;
	v4 =	vmul.f32 $9.000000000e+00, v7;
	v7 =	vld.idx.msk [tilespmem:v12+s10+$0x0], $0xffff  }
0x46: {  	v1 =	vadd.f32 v2, v1;
	v2 =	vmul.f32 $9.000000000e+00, v63;
	v63 =	vld.idx.msk [tilespmem:v13+s2+$0x0], $0xffff  }
0x47: {  	v3 =	vadd.f32 v4, v3;
	v4 =	vmul.f32 $1.000000000e+01, v5;
	v5 =	vld.idx.msk [tilespmem:v13+s10+$0x0], $0xffff  }
0x48: {  	v1 =	vadd.f32 v2, v1;
	v2 =	vmul.f32 $1.000000000e+01, v32;
	v32 =	vld.idx.msk [tilespmem:v14+s2+$0x0], $0xffff  }
0x49: {  	v3 =	vadd.f32 v4, v3;
	v4 =	vmul.f32 $1.100000000e+01, v6;
	v6 =	vld.idx.msk [tilespmem:v14+s10+$0x0], $0xffff  }
0x4a: {  	v1 =	vadd.f32 v2, v1;
	v2 =	vmul.f32 $1.100000000e+01, v7;
	v7 =	vld.idx.msk [tilespmem:v15+s2+$0x0], $0xffff  }
0x4b: {  	v3 =	vadd.f32 v4, v3;
	v4 =	vmul.f32 $1.200000000e+01, v63;
	v63 =	vld.idx.msk [tilespmem:v15+s10+$0x0], $0xffff  }
0x4c: {  	v1 =	vadd.f32 v2, v1;
	v2 =	vmul.f32 $1.200000000e+01, v5;
	v5 =	vld.idx.msk [tilespmem:v16+s2+$0x0], $0xffff  }
0x4d: {  	v3 =	vadd.f32 v4, v3;
	v4 =	vmul.f32 $1.300000000e+01, v32;
	v32 =	vld.idx.msk [tilespmem:v16+s10+$0x0], $0xffff  }
0x4e: {  	v1 =	vadd.f32 v2, v1;
	v2 =	vmul.f32 $1.300000000e+01, v6;
	v6 =	vld.idx.msk [tilespmem:v17+s2+$0x0], $0xffff  }
0x4f: {  	v3 =	vadd.f32 v4, v3;
	v4 =	vmul.f32 $1.400000000e+01, v7;
	v7 =	vld.idx.msk [tilespmem:v17+s10+$0x0], $0xffff  }
0x50: {  	v1 =	vadd.f32 v2, v1;
	v2 =	vmul.f32 $1.400000000e+01, v63;
	v63 =	vld.idx.msk [tilespmem:v18+s2+$0x0], $0xffff  }
0x51: {  	v3 =	vadd.f32 v4, v3;
	v4 =	vmul.f32 $1.500000000e+01, v5;
	v5 =	vld.idx.msk [tilespmem:v18+s10+$0x0], $0xffff  }
0x52: {  	v1 =	vadd.f32 v2, v1;
	v2 =	vmul.f32 $1.500000000e+01, v32;
	v32 =	vld.idx.msk [tilespmem:v19+s2+$0x0], $0xffff  }
0x53: {  	v3 =	vadd.f32 v4, v3;
	v4 =	vmul.f32 $1.600000000e+01, v6;
	v6 =	vld.idx.msk [tilespmem:v19+s10+$0x0], $0xffff  }
0x54: {  	v1 =	vadd.f32 v2, v1;
	v2 =	vmul.f32 $1.600000000e+01, v7;
	v7 =	vld.idx.msk [tilespmem:v20+s2+$0x0], $0xffff  }
0x55: {  	v3 =	vadd.f32 v4, v3;
	v4 =	vmul.f32 $1.700000000e+01, v63;
	v63 =	vld.idx.msk [tilespmem:v20+s10+$0x0], $0xffff  }
0x56: {  	v1 =	vadd.f32 v2, v1;
	v2 =	vmul.f32 $1.700000000e+01, v5;
	v5 =	vld.idx.msk [tilespmem:v21+s2+$0x0], $0xffff  }
0x57: {  	v3 =	vadd.f32 v4, v3;
	v4 =	vmul.f32 $1.800000000e+01, v32;
	v32 =	vld.idx.msk [tilespmem:v21+s10+$0x0], $0xffff  }
0x58: {  	v1 =	vadd.f32 v2, v1;
	v2 =	vmul.f32 $1.800000000e+01, v6;
	v6 =	vld.idx.msk [tilespmem:v22+s2+$0x0], $0xffff  }
0x59: {  	v3 =	vadd.f32 v4, v3;
	v4 =	vmul.f32 $1.900000000e+01, v7;
	v7 =	vld.idx.msk [tilespmem:v22+s10+$0x0], $0xffff  }
0x5a: {  	v1 =	vadd.f32 v2, v1;
	v2 =	vmul.f32 $1.900000000e+01, v63;
	v63 =	vld.idx.msk [tilespmem:v23+s2+$0x0], $0xffff  }
0x5b: {  	v3 =	vadd.f32 v4, v3;
	v4 =	vmul.f32 $2.000000000e+01, v5;
	v5 =	vld.idx.msk [tilespmem:v23+s10+$0x0], $0xffff  }
0x5c: {  	v1 =	vadd.f32 v2, v1;
	v2 =	vmul.f32 $2.000000000e+01, v32;
	v32 =	vld.idx.msk [tilespmem:v24+s2+$0x0], $0xffff  }
0x5d: {  	v3 =	vadd.f32 v4, v3;
	v4 =	vmul.f32 $2.100000000e+01, v6;
	v6 =	vld.idx.msk [tilespmem:v24+s10+$0x0], $0xffff  }
0x5e: {  	v1 =	vadd.f32 v2, v1;
	v2 =	vmul.f32 $2.100000000e+01, v7;
	v7 =	vld.idx.msk [tilespmem:v25+s2+$0x0], $0xffff  }
0x5f: {  	v3 =	vadd.f32 v4, v3;
	v4 =	vmul.f32 $2.200000000e+01, v63;
	v63 =	vld.idx.msk [tilespmem:v25+s10+$0x0], $0xffff  }
0x60: {  	v1 =	vadd.f32 v2, v1;
	v2 =	vmul.f32 $2.200000000e+01, v5;
	v5 =	vld.idx.msk [tilespmem:v26+s2+$0x0], $0xffff  }
0x61: {  	v3 =	vadd.f32 v4, v3;
	v4 =	vmul.f32 $2.300000000e+01, v32;
	v32 =	vld.idx.msk [tilespmem:v26+s10+$0x0], $0xffff  }
0x62: {  	v1 =	vadd.f32 v2, v1;
	v2 =	vmul.f32 $2.300000000e+01, v6;
	v6 =	vld.idx.msk [tilespmem:v28+s2+$0x0], $0xffff  }
0x63: {  	v3 =	vadd.f32 v4, v3;
	v4 =	vmul.f32 $2.400000000e+01, v7;
	v7 =	vld.idx.msk [tilespmem:v28+s10+$0x0], $0xffff  }
0x64: {  	v1 =	vadd.f32 v2, v1;
	v2 =	vmul.f32 $2.400000000e+01, v63;
	v63 =	vld.idx.msk [tilespmem:v29+s2+$0x0], $0xffff  }
0x65: {  	v3 =	vadd.f32 v4, v3;
	v4 =	vmul.f32 $2.500000000e+01, v5;
	v5 =	vld.idx.msk [tilespmem:v29+s10+$0x0], $0xffff  }
0x66: {  	v1 =	vadd.f32 v2, v1;
	v2 =	vmul.f32 $2.500000000e+01, v32;
	v32 =	vld.idx.msk [tilespmem:v30+s2+$0x0], $0xffff  }
0x67: {  	v3 =	vadd.f32 v4, v3;
	v4 =	vmul.f32 $2.600000000e+01, v6;
	v6 =	vld.idx.msk [tilespmem:v30+s10+$0x0], $0xffff  }
0x68: {  	v1 =	vadd.f32 v2, v1;
	v2 =	vmul.f32 $2.600000000e+01, v7;
	v7 =	vld.idx.msk [tilespmem:v31+s2+$0x0], $0xffff  }
0x69: {  	v3 =	vadd.f32 v4, v3;
	v4 =	vmul.f32 $2.700000000e+01, v63;
	v63 =	vld.idx.msk [tilespmem:v31+s10+$0x0], $0xffff  }
0x6a: {  	v1 =	vadd.f32 v2, v1;
	v2 =	vmul.f32 $2.700000000e+01, v5  }
0x6b: {  	v3 =	vadd.f32 v4, v3;
	v32 =	vmul.f32 $2.800000000e+01, v32  }
0x6c: {  	v1 =	vadd.f32 v2, v1;
	v2 =	vmul.f32 $2.800000000e+01, v6  }
0x6d: {  	v3 =	vadd.f32 v32, v3  }
0x6e: {  	v1 =	vadd.f32 v2, v1;
	v2 =	vmul.f32 $2.900000000e+01, v7;
	v63 =	vmul.f32 $2.900000000e+01, v63;
	_ =	sdelay $0x1  }
0x6f: {  	v2 =	vadd.f32 v2, v3;
	v1 =	vadd.f32 v63, v1;
	_ =	sdelay $0x1  }
0x70: {  	v2 =	vtrunc.f32 v2;
	v1 =	vtrunc.f32 v1  }
0x71: {  	v2 =	vcvt.f32.s32 v2;
	v1 =	vcvt.f32.s32 v1;
	_ =	sdelay $0x1  }
0x72: {  	v3 =	vand.u32 $0xFFFFFFF8, v2;
	v1 =	vshll.u32 v1, $0x5  }
0x73: {  	v2 =	vand.u32 $0x7, v2;
	v1 =	vadd.s32 v3, v1  }
0x74: {  	v1 =	vor.u32 v2, v1;
	_ =	sdelay $0x4  }
0x75: {  	v1 =	vld.idx.msk [tilespmem:v1+s11+$0x0], $0xffff;
	_ =	sdelay $0x4  }
0x76: {  	vm1 =	vlt.f32 v1, $0.0e+00;
	vm2 =	vgt.f32 v1, $0.0e+00  }
0x77: {  	v8 =	vimm.f32 $0.0e+00;
	vm1 =	vmor vm2, vm1  }
0x78: {  	v1 =	vsel vm1, $0x3F800000, v8  }
0x79: {  	v2 =	vsub.f32 $1.000000000e+00, v1;
	_ =	sdelay $0x1  }
0x7a: {  	[tilespmem:v27+s12+$0x0] =	vst.idx.msk $0xffff, v2;
	v2 =	vld [tilespmem:$0x1FFF0];
	_ =	sdelay $0x7  }
0x7b: {  	[tilespmem:v2+s12+$0x0] =	vst.idx.msk $0xffff, v1  }
0x7c: {  	v1 =	vld.idx.msk [tilespmem:v33+s2+$0x0], $0xffff  }
0x7d: {  	v2 =	vld.idx.msk [tilespmem:v33+s10+$0x0], $0xffff  }
0x7e: {  	v3 =	vld.idx.msk [tilespmem:v34+s2+$0x0], $0xffff  }
0x7f: {  	v4 =	vld.idx.msk [tilespmem:v34+s10+$0x0], $0xffff  }
0x80: {  	v5 =	vld.idx.msk [tilespmem:v35+s2+$0x0], $0xffff  }
0x81: {  	v6 =	vld.idx.msk [tilespmem:v35+s10+$0x0], $0xffff;
	v1 =	vmul.f32 $0.0e+00, v1  }
0x82: {  	v7 =	vld.idx.msk [tilespmem:v36+s2+$0x0], $0xffff;
	v2 =	vmul.f32 $0.0e+00, v2  }
0x83: {  	v32 =	vld.idx.msk [tilespmem:v36+s10+$0x0], $0xffff;
	v1 =	vadd.f32 $0.0e+00, v1  }
0x84: {  	v63 =	vld.idx.msk [tilespmem:v37+s2+$0x0], $0xffff;
	v2 =	vadd.f32 $0.0e+00, v2  }
0x85: {  	v1 =	vadd.f32 v3, v1;
	v3 =	vadd.f32 v5, v5;
	v5 =	vld.idx.msk [tilespmem:v37+s10+$0x0], $0xffff  }
0x86: {  	v2 =	vadd.f32 v4, v2;
	v4 =	vadd.f32 v6, v6;
	v6 =	vld.idx.msk [tilespmem:v38+s2+$0x0], $0xffff  }
0x87: {  	v1 =	vadd.f32 v3, v1;
	v3 =	vmul.f32 $3.000000000e+00, v7;
	v7 =	vld.idx.msk [tilespmem:v38+s10+$0x0], $0xffff  }
0x88: {  	v2 =	vadd.f32 v4, v2;
	v4 =	vmul.f32 $3.000000000e+00, v32;
	v32 =	vld.idx.msk [tilespmem:v39+s2+$0x0], $0xffff  }
0x89: {  	v1 =	vadd.f32 v3, v1;
	v3 =	vmul.f32 $4.000000000e+00, v63;
	v63 =	vld.idx.msk [tilespmem:v39+s10+$0x0], $0xffff  }
0x8a: {  	v2 =	vadd.f32 v4, v2;
	v4 =	vmul.f32 $4.000000000e+00, v5;
	v5 =	vld.idx.msk [tilespmem:v40+s2+$0x0], $0xffff  }
0x8b: {  	v1 =	vadd.f32 v3, v1;
	v3 =	vmul.f32 $5.000000000e+00, v6;
	v6 =	vld.idx.msk [tilespmem:v40+s10+$0x0], $0xffff  }
0x8c: {  	v2 =	vadd.f32 v4, v2;
	v4 =	vmul.f32 $5.000000000e+00, v7;
	v7 =	vld.idx.msk [tilespmem:v41+s2+$0x0], $0xffff  }
0x8d: {  	v1 =	vadd.f32 v3, v1;
	v3 =	vmul.f32 $6.000000000e+00, v32;
	v32 =	vld.idx.msk [tilespmem:v41+s10+$0x0], $0xffff  }
0x8e: {  	v2 =	vadd.f32 v4, v2;
	v4 =	vmul.f32 $6.000000000e+00, v63;
	v63 =	vld.idx.msk [tilespmem:v42+s2+$0x0], $0xffff  }
0x8f: {  	v1 =	vadd.f32 v3, v1;
	v3 =	vmul.f32 $7.000000000e+00, v5;
	v5 =	vld.idx.msk [tilespmem:v42+s10+$0x0], $0xffff  }
0x90: {  	v2 =	vadd.f32 v4, v2;
	v4 =	vmul.f32 $7.000000000e+00, v6;
	v6 =	vld.idx.msk [tilespmem:v43+s2+$0x0], $0xffff  }
0x91: {  	v1 =	vadd.f32 v3, v1;
	v3 =	vmul.f32 $8.000000000e+00, v7;
	v7 =	vld.idx.msk [tilespmem:v43+s10+$0x0], $0xffff  }
0x92: {  	v2 =	vadd.f32 v4, v2;
	v4 =	vmul.f32 $8.000000000e+00, v32;
	v32 =	vld.idx.msk [tilespmem:v44+s2+$0x0], $0xffff  }
0x93: {  	v1 =	vadd.f32 v3, v1;
	v3 =	vmul.f32 $9.000000000e+00, v63;
	v63 =	vld.idx.msk [tilespmem:v44+s10+$0x0], $0xffff  }
0x94: {  	v2 =	vadd.f32 v4, v2;
	v4 =	vmul.f32 $9.000000000e+00, v5;
	v5 =	vld.idx.msk [tilespmem:v45+s2+$0x0], $0xffff  }
0x95: {  	v1 =	vadd.f32 v3, v1;
	v3 =	vmul.f32 $1.000000000e+01, v6;
	v6 =	vld.idx.msk [tilespmem:v45+s10+$0x0], $0xffff  }
0x96: {  	v2 =	vadd.f32 v4, v2;
	v4 =	vmul.f32 $1.000000000e+01, v7;
	v7 =	vld.idx.msk [tilespmem:v46+s2+$0x0], $0xffff  }
0x97: {  	v1 =	vadd.f32 v3, v1;
	v3 =	vmul.f32 $1.100000000e+01, v32;
	v32 =	vld.idx.msk [tilespmem:v46+s10+$0x0], $0xffff  }
0x98: {  	v2 =	vadd.f32 v4, v2;
	v4 =	vmul.f32 $1.100000000e+01, v63;
	v63 =	vld.idx.msk [tilespmem:v47+s2+$0x0], $0xffff  }
0x99: {  	v1 =	vadd.f32 v3, v1;
	v3 =	vmul.f32 $1.200000000e+01, v5;
	v5 =	vld.idx.msk [tilespmem:v47+s10+$0x0], $0xffff  }
0x9a: {  	v2 =	vadd.f32 v4, v2;
	v4 =	vmul.f32 $1.200000000e+01, v6;
	v6 =	vld.idx.msk [tilespmem:v48+s2+$0x0], $0xffff  }
0x9b: {  	v1 =	vadd.f32 v3, v1;
	v3 =	vmul.f32 $1.300000000e+01, v7;
	v7 =	vld.idx.msk [tilespmem:v48+s10+$0x0], $0xffff  }
0x9c: {  	v2 =	vadd.f32 v4, v2;
	v4 =	vmul.f32 $1.300000000e+01, v32;
	v32 =	vld.idx.msk [tilespmem:v49+s2+$0x0], $0xffff  }
0x9d: {  	v1 =	vadd.f32 v3, v1;
	v3 =	vmul.f32 $1.400000000e+01, v63;
	v63 =	vld.idx.msk [tilespmem:v49+s10+$0x0], $0xffff  }
0x9e: {  	v2 =	vadd.f32 v4, v2;
	v4 =	vmul.f32 $1.400000000e+01, v5;
	v5 =	vld.idx.msk [tilespmem:v50+s2+$0x0], $0xffff  }
0x9f: {  	v1 =	vadd.f32 v3, v1;
	v3 =	vmul.f32 $1.500000000e+01, v6;
	v6 =	vld.idx.msk [tilespmem:v50+s10+$0x0], $0xffff  }
0xa0: {  	v2 =	vadd.f32 v4, v2;
	v4 =	vmul.f32 $1.500000000e+01, v7;
	v7 =	vld.idx.msk [tilespmem:v51+s2+$0x0], $0xffff  }
0xa1: {  	v1 =	vadd.f32 v3, v1;
	v3 =	vmul.f32 $1.600000000e+01, v32;
	v32 =	vld.idx.msk [tilespmem:v51+s10+$0x0], $0xffff  }
0xa2: {  	v2 =	vadd.f32 v4, v2;
	v4 =	vmul.f32 $1.600000000e+01, v63;
	v63 =	vld.idx.msk [tilespmem:v52+s2+$0x0], $0xffff  }
0xa3: {  	v1 =	vadd.f32 v3, v1;
	v3 =	vmul.f32 $1.700000000e+01, v5;
	v5 =	vld.idx.msk [tilespmem:v52+s10+$0x0], $0xffff  }
0xa4: {  	v2 =	vadd.f32 v4, v2;
	v4 =	vmul.f32 $1.700000000e+01, v6;
	v6 =	vld.idx.msk [tilespmem:v53+s2+$0x0], $0xffff  }
0xa5: {  	v1 =	vadd.f32 v3, v1;
	v3 =	vmul.f32 $1.800000000e+01, v7;
	v7 =	vld.idx.msk [tilespmem:v53+s10+$0x0], $0xffff  }
0xa6: {  	v2 =	vadd.f32 v4, v2;
	v4 =	vmul.f32 $1.800000000e+01, v32;
	v32 =	vld.idx.msk [tilespmem:v54+s2+$0x0], $0xffff  }
0xa7: {  	v1 =	vadd.f32 v3, v1;
	v3 =	vmul.f32 $1.900000000e+01, v63;
	v63 =	vld.idx.msk [tilespmem:v54+s10+$0x0], $0xffff  }
0xa8: {  	v2 =	vadd.f32 v4, v2;
	v4 =	vmul.f32 $1.900000000e+01, v5;
	v5 =	vld.idx.msk [tilespmem:v55+s2+$0x0], $0xffff  }
0xa9: {  	v1 =	vadd.f32 v3, v1;
	v3 =	vmul.f32 $2.000000000e+01, v6;
	v6 =	vld.idx.msk [tilespmem:v55+s10+$0x0], $0xffff  }
0xaa: {  	v2 =	vadd.f32 v4, v2;
	v4 =	vmul.f32 $2.000000000e+01, v7;
	v7 =	vld.idx.msk [tilespmem:v56+s2+$0x0], $0xffff  }
0xab: {  	v1 =	vadd.f32 v3, v1;
	v3 =	vmul.f32 $2.100000000e+01, v32;
	v32 =	vld.idx.msk [tilespmem:v56+s10+$0x0], $0xffff  }
0xac: {  	v2 =	vadd.f32 v4, v2;
	v4 =	vmul.f32 $2.100000000e+01, v63;
	v63 =	vld.idx.msk [tilespmem:v57+s2+$0x0], $0xffff  }
0xad: {  	v1 =	vadd.f32 v3, v1;
	v3 =	vmul.f32 $2.200000000e+01, v5;
	v5 =	vld.idx.msk [tilespmem:v57+s10+$0x0], $0xffff  }
0xae: {  	v2 =	vadd.f32 v4, v2;
	v4 =	vmul.f32 $2.200000000e+01, v6;
	v6 =	vld.idx.msk [tilespmem:v58+s2+$0x0], $0xffff  }
0xaf: {  	v1 =	vadd.f32 v3, v1;
	v3 =	vmul.f32 $2.300000000e+01, v7;
	v7 =	vld.idx.msk [tilespmem:v58+s10+$0x0], $0xffff  }
0xb0: {  	v2 =	vadd.f32 v4, v2;
	v4 =	vmul.f32 $2.300000000e+01, v32;
	v32 =	vld.idx.msk [tilespmem:v59+s2+$0x0], $0xffff  }
0xb1: {  	v1 =	vadd.f32 v3, v1;
	v3 =	vmul.f32 $2.400000000e+01, v63;
	v63 =	vld.idx.msk [tilespmem:v59+s10+$0x0], $0xffff  }
0xb2: {  	v2 =	vadd.f32 v4, v2;
	v4 =	vmul.f32 $2.400000000e+01, v5;
	v5 =	vld.idx.msk [tilespmem:v60+s2+$0x0], $0xffff  }
0xb3: {  	v1 =	vadd.f32 v3, v1;
	v3 =	vmul.f32 $2.500000000e+01, v6;
	v6 =	vld.idx.msk [tilespmem:v60+s10+$0x0], $0xffff  }
0xb4: {  	v2 =	vadd.f32 v4, v2;
	v4 =	vmul.f32 $2.500000000e+01, v7;
	v7 =	vld.idx.msk [tilespmem:v61+s2+$0x0], $0xffff  }
0xb5: {  	v1 =	vadd.f32 v3, v1;
	v3 =	vmul.f32 $2.600000000e+01, v32;
	v32 =	vld.idx.msk [tilespmem:v61+s10+$0x0], $0xffff  }
0xb6: {  	v2 =	vadd.f32 v4, v2;
	v4 =	vmul.f32 $2.600000000e+01, v63;
	v63 =	vld.idx.msk [tilespmem:v62+s2+$0x0], $0xffff  }
0xb7: {  	v1 =	vadd.f32 v3, v1;
	v3 =	vmul.f32 $2.700000000e+01, v5;
	v5 =	vld.idx.msk [tilespmem:v62+s10+$0x0], $0xffff  }
0xb8: {  	v2 =	vadd.f32 v4, v2;
	v4 =	vmul.f32 $2.700000000e+01, v6  }
0xb9: {  	v1 =	vadd.f32 v3, v1;
	v3 =	vmul.f32 $2.800000000e+01, v7  }
0xba: {  	v2 =	vadd.f32 v4, v2;
	v32 =	vmul.f32 $2.800000000e+01, v32  }
0xbb: {  	v1 =	vadd.f32 v3, v1  }
0xbc: {  	v3 =	vmul.f32 $2.900000000e+01, v63;
	v2 =	vadd.f32 v32, v2;
	v63 =	vmul.f32 $2.900000000e+01, v5;
	_ =	sdelay $0x1  }
0xbd: {  	v1 =	vadd.f32 v3, v1;
	v2 =	vadd.f32 v63, v2;
	_ =	sdelay $0x1  }
0xbe: {  	v1 =	vtrunc.f32 v1;
	v2 =	vtrunc.f32 v2  }
0xbf: {  	v1 =	vcvt.f32.s32 v1;
	v2 =	vcvt.f32.s32 v2;
	_ =	sdelay $0x1  }
0xc0: {  	v3 =	vand.u32 $0xFFFFFFF8, v1;
	v2 =	vshll.u32 v2, $0x5  }
0xc1: {  	v1 =	vand.u32 $0x7, v1;
	v2 =	vadd.s32 v3, v2  }
0xc2: {  	v1 =	vor.u32 v1, v2;
	_ =	sdelay $0x4  }
0xc3: {  	v1 =	vld.idx.msk [tilespmem:v1+s11+$0x0], $0xffff;
	_ =	sdelay $0x2  }
0xc4: {  	v2 =	vlaneseq.u32 @p0  }
0xc5: {  	v2 =	vmul.u32 @p0 $0x2, v2  }
0xc6: {  	vm1 =	vlt.f32 v1, $0.0e+00;
	vm2 =	vgt.f32 v1, $0.0e+00;
	v1 =	vadd.s32 $0x18, v27  }
0xc7: {  	v3 =	vadd.s32 $0x19, v27;
	vm1 =	vmor vm2, vm1  }
0xc8: {  	v5 =	vadd.s32 @p0 $0xFFFFFFE4, v2;
	v4 =	vsel vm1, $0x3F800000, v8  }
0xc9: {  	v2 =	vadd.s32 @p0 $0xFFFFFFE5, v2;
	v6 =	vsub.f32 $1.000000000e+00, v4;
	_ =	sdelay $0x1  }
0xca: {  	[tilespmem:v1+s12+$0x0] =	vst.idx.msk $0xffff, v6  }
0xcb: {  	s13 =	simm.s32 @p0 $0xAC0;
	[tilespmem:v3+s12+$0x0] =	vst.idx.msk $0xffff, v4  }
0xcc: {  	[tilespmem:v5+s13+$0x0] =	vst.idx.msk @p0 vm0, v6  }
0xcd: {  	s14 =	simm.s32 @p0 $0x0;
	[tilespmem:v2+s13+$0x0] =	vst.idx.msk @p0 vm0, v4  }
0xce: {  	[hbm4b:s7+s14] =	stream.linear.scatter @p0 [tilespmem:s13], [sflag:$0x1], $0x8, $0x38;
	[tilespmem:$0xAF8] =	vst v63  }
0xcf: {  	s13 =	simm.s32 @p0 $0x1  }
0xd0: {  	s8 =	sadd.s32 $0xFFFFFFFF, s8;
	_ =	swait.ge @p0 [sflag:s13], $0x8  }
0xd1: {  	p1 =	sne.s32 s8, $0x0;
	[sflag:s13] =	ssyncset.done @p0 $0x0  }
0xd2: {  	s14 =	simm.s32 @!p0 $0xAC0;
	[sflag:s13] =	ssyncadd.s32 @p0 $0xFFFFFFF8;
	s13 =	simm.s32 @!p0 $0x0  }
0xd3: {  	[hbm4b:s6+s13] =	stream.linear.scatter @!p0 [tilespmem:s14], [sflag:$0x1], $0x38, $0x38;
	[tilespmem:$0xAF8] =	vst v63  }
.Ltmp0:
0xd4: {  	_ = 	snop;
	(pc) =	sbr.rel @p1 .LBB2_1-.Ltmp0, $4  }
0xd5: {  	s13 =	simm.s32 @!p0 $0x1  }
0xd6: {  	_ =	swait.ge @!p0 [sflag:s13], $0x38  }
0xd7: {  	[sflag:s13] =	ssyncset.done @!p0 $0x0  }
0xd8: {  	[sflag:s13] =	ssyncadd.s32 @!p0 $0xFFFFFFC8  }
0xd9: {  	_ =	sfence.sel $0x180000  }
0xda: {  	[bflag:$0x0] =	sbarrier.arrive $0xFFFF  }
0xdb: {  	p0 =	sne.s32 s0, $0x0;
	_ =	strace $0x90000047  }
0xdc: {  	s0 =	sadd.s32 @!p0 $0x100000, s1;
	[bflag:$0x2] =	sbarrier.arrive $0xFFFF  }
0xdd: {  	[sflag:s0] =	ssyncadd.tile.s32 @!p0 $0x1;
	_ =	shalt  }
.Lfunc_end2:
_tile_overlayer_lowered:
.L_overlay_start_2:
0xde: {  	(tag) =	ssettag $0x2  }
0xdf: {  	s0 =	rddreg [dreg:$0x0];
	s2 =	stileid.u32  }
0xe0: {  	s1 =	rddreg [dreg:$0x1];
	p0 =	sne.s32 s2, $0x0  }
0xe1: {  	s3 =	rddreg [dreg:$0x2];
	[bflag:$0x3] =	sbarrier.arrive $0xFFFF;
	s2 =	simm.s32 @!p0 $0x1C01  }
0xe2: {  	[timem:s3], [sflag:s2] =	dma.local @!p0 [hbm:s0], s1  }
0xe3: {  	s0 =	simm.s32 @!p0 $0x1  }
0xe4: {  	_ =	swait.ge @!p0 [sflag:s0], s1  }
0xe5: {  	s1 =	ssub.s32 @!p0 $0x0, s1;
	[sflag:s0] =	ssyncset.done @!p0 $0x0  }
0xe6: {  	[sflag:s0] =	ssyncadd.s32 @!p0 s1  }
0xe7: {  	[bflag:$0x3] =	sbarrier.arrive $0xFFFF  }
0xe8: {  	_ =	shalt  }

</sc_bundles>
